<compile_context>
chip_gen: v7x
topology: tpu7x:2x2x1
jax: 0.10.2.dev20260603
libtpu: 0.0.44.dev20260713+nightly
codegen_flags: <defaults>
</compile_context>

<pallas_src>
import jax
import jax.numpy as jnp
from jax import lax
from jax.experimental import pallas as pl
from jax.experimental.pallas import tpu as pltpu
from jax.experimental.pallas import tpu_sc as plsc

N = 10000
E = 160000
D = 128
N_REL = 13
NTAB = N_REL

NC = 2
NS = 16
K = 128
NCHUNK = 1280
EP = NCHUNK * K
CPT = 40
NBUF = 2
IBUF = 4
NPAD = 10112
ROWS_PER_TILE_ACC = NPAD // NS

BN = 1000
GRID_N = N // BN


def _table_body(x_ref, w_ref, b_ref, bases_ref, coef_ref, src_ref, et_ref,
                self_ref, tab_ref, gidx_ref):
    x = x_ref[...]
    self_ref[...] = (
        jnp.dot(x, w_ref[...], preferred_element_type=jnp.float32) + b_ref[...]
    )
    h0 = jnp.dot(x, bases_ref[0], preferred_element_type=jnp.float32)
    h1 = jnp.dot(x, bases_ref[1], preferred_element_type=jnp.float32)
    for r in range(N_REL):
        tab_ref[r] = coef_ref[r, 0] * h0 + coef_ref[r, 1] * h1
    gidx_ref[...] = et_ref[...] * N + src_ref[...]


def _build_table(x, W_self, b_self, bases, coefficients, src_p, et_p):
    eb = EP // K // GRID_N
    return pl.pallas_call(
        _table_body,
        grid=(GRID_N,),
        in_specs=[
            pl.BlockSpec((BN, D), lambda i: (i, 0)),
            pl.BlockSpec((D, D), lambda i: (0, 0)),
            pl.BlockSpec((1, D), lambda i: (0, 0)),
            pl.BlockSpec((2, D, D), lambda i: (0, 0, 0)),
            pl.BlockSpec(memory_space=pltpu.SMEM),
            pl.BlockSpec((eb, K), lambda i: (i, 0)),
            pl.BlockSpec((eb, K), lambda i: (i, 0)),
        ],
        out_specs=[
            pl.BlockSpec((BN, D), lambda i: (i, 0)),
            pl.BlockSpec((NTAB, BN, D), lambda i: (0, i, 0)),
            pl.BlockSpec((eb, K), lambda i: (i, 0)),
        ],
        out_shape=[
            jax.ShapeDtypeStruct((N, D), jnp.float32),
            jax.ShapeDtypeStruct((NTAB, N, D), jnp.float32),
            jax.ShapeDtypeStruct((EP // K, K), jnp.int32),
        ],
    )(x, W_self, b_self.reshape(1, D), bases, coefficients, src_p, et_p)


def _sc_body(htab_hbm, gidx_hbm, tgt_hbm, out_hbm,
             idx_v, tgt_v, rows_v, acc, sem_i, sem_t, sem_g, sem_s):
    core = lax.axis_index("c")
    sub = lax.axis_index("s")

    @pl.loop(0, K)
    def _(i):
        for j in range(D // 16):
            rows_v[0, i, pl.ds(j * 16, 16)] = jnp.zeros((16,), jnp.float32)

    for k in range(ROWS_PER_TILE_ACC // K):
        pltpu.sync_copy(rows_v.at[0],
                        acc.at[pl.ds(sub * ROWS_PER_TILE_ACC + k * K, K)])
    rem = ROWS_PER_TILE_ACC % K
    pltpu.sync_copy(rows_v.at[0, pl.ds(0, rem)],
                    acc.at[pl.ds(sub * ROWS_PER_TILE_ACC
                                 + (ROWS_PER_TILE_ACC // K) * K, rem)])

    plsc.subcore_barrier()

    m = CPT
    base = (core * NS + sub) * CPT

    for p in range(3):
        pltpu.async_copy(gidx_hbm.at[pl.ds(base + p, 1)],
                         idx_v.at[pl.ds(p, 1)], sem_i.at[p])
        pltpu.async_copy(tgt_hbm.at[pl.ds(base + p, 1)],
                         tgt_v.at[pl.ds(p, 1)], sem_t.at[p])
    pltpu.make_async_copy(gidx_hbm.at[pl.ds(base, 1)],
                          idx_v.at[pl.ds(0, 1)], sem_i.at[0]).wait()
    pltpu.async_copy(htab_hbm.at[idx_v.at[0]], rows_v.at[0], sem_g.at[0])

    @pl.loop(0, m, step=4)
    def _(c0):
        for u in range(4):
            c = c0 + u
            b = u % NBUF
            b1 = (b + 1) % NBUF
            ib = u % IBUF
            pltpu.make_async_copy(htab_hbm.at[idx_v.at[ib]],
                                  rows_v.at[b], sem_g.at[b]).wait()
            pltpu.make_async_copy(tgt_hbm.at[pl.ds(base + c, 1)],
                                  tgt_v.at[pl.ds(ib, 1)],
                                  sem_t.at[ib]).wait()
            pltpu.async_copy(rows_v.at[b], acc.at[tgt_v.at[ib]],
                             sem_s.at[b], add=True)

            @pl.when(c >= 1)
            def _():
                ibp = (ib + IBUF - 1) % IBUF
                pltpu.make_async_copy(rows_v.at[b1],
                                      acc.at[tgt_v.at[ibp]],
                                      sem_s.at[b1]).wait()

            @pl.when(c + 3 < m)
            def _():
                ibn = (ib + 3) % IBUF
                pltpu.async_copy(gidx_hbm.at[pl.ds(base + c + 3, 1)],
                                 idx_v.at[pl.ds(ibn, 1)], sem_i.at[ibn])
                pltpu.async_copy(tgt_hbm.at[pl.ds(base + c + 3, 1)],
                                 tgt_v.at[pl.ds(ibn, 1)], sem_t.at[ibn])

            @pl.when(c + 1 < m)
            def _():
                ibn = (ib + 1) % IBUF
                pltpu.make_async_copy(gidx_hbm.at[pl.ds(base + c + 1, 1)],
                                      idx_v.at[pl.ds(ibn, 1)],
                                      sem_i.at[ibn]).wait()
                pltpu.async_copy(htab_hbm.at[idx_v.at[ibn]],
                                 rows_v.at[b1], sem_g.at[b1])

    pltpu.make_async_copy(rows_v.at[1], acc.at[tgt_v.at[3]],
                          sem_s.at[1]).wait()

    plsc.subcore_barrier()

    @pl.when(sub < NS - 1)
    def _():
        pltpu.sync_copy(acc.at[pl.ds(sub * 624, 624)],
                        out_hbm.at[core, pl.ds(sub * 624, 624), :])

    @pl.when(sub == NS - 1)
    def _():
        pltpu.sync_copy(acc.at[pl.ds((NS - 1) * 624, N - (NS - 1) * 624)],
                        out_hbm.at[core, pl.ds((NS - 1) * 624,
                                               N - (NS - 1) * 624), :])


def _sc_scatter(htab2d, gidx_p, tgt_p):
    mesh = plsc.VectorSubcoreMesh(core_axis_name="c", subcore_axis_name="s",
                                  num_cores=NC, num_subcores=NS)
    kfn = pl.kernel(
        _sc_body,
        out_type=jax.ShapeDtypeStruct((NC, N, D), jnp.float32),
        mesh=mesh,
        scratch_types=[
            pltpu.VMEM((IBUF, K), jnp.int32),
            pltpu.VMEM((IBUF, K), jnp.int32),
            pltpu.VMEM((NBUF, K, D), jnp.float32),
            pltpu.VMEM_SHARED((NPAD, D), jnp.float32),
            pltpu.SemaphoreType.DMA((IBUF,)),
            pltpu.SemaphoreType.DMA((IBUF,)),
            pltpu.SemaphoreType.DMA((NBUF,)),
            pltpu.SemaphoreType.DMA((NBUF,)),
        ],
    )
    return kfn(htab2d, gidx_p, tgt_p)


def _combine_body(h_ref, p_ref, out_ref):
    o = h_ref[...] + p_ref[0] + p_ref[1]
    out_ref[...] = jnp.maximum(o, 0.0)


def _combine(out_self, partials):
    return pl.pallas_call(
        _combine_body,
        grid=(GRID_N,),
        in_specs=[
            pl.BlockSpec((BN, D), lambda i: (i, 0)),
            pl.BlockSpec((NC, BN, D), lambda i: (0, i, 0)),
        ],
        out_specs=pl.BlockSpec((BN, D), lambda i: (i, 0)),
        out_shape=jax.ShapeDtypeStruct((N, D), jnp.float32),
    )(out_self, partials)


def kernel(node_features, edge_index, edge_type, W_self, b_self, bases,
           coefficients):
    src = edge_index[0].astype(jnp.int32)
    tgt = edge_index[1].astype(jnp.int32)
    et = edge_type.astype(jnp.int32)
    pad = EP - E
    pad_src = jnp.arange(pad, dtype=jnp.int32) % N
    src_p = jnp.concatenate([src, pad_src]).reshape(EP // K, K)
    et_p = jnp.concatenate([et, jnp.zeros((pad,), jnp.int32)]).reshape(EP // K, K)
    pad_tgt = N + (jnp.arange(pad, dtype=jnp.int32) % (NPAD - N))
    tgt_p = jnp.concatenate([tgt, pad_tgt]).reshape(EP // K, K)

    out_self, htab, gidx_p = _build_table(node_features, W_self, b_self,
                                          bases, coefficients, src_p, et_p)
    partials = _sc_scatter(htab.reshape(N * NTAB, D), gidx_p, tgt_p)
    return _combine(out_self, partials)

# --- scband reference (transcript-rebuilt; emitter-appended) ---
"""Pipeline reference for scband-disease-graph-encoder-10342281248978 (READ-ONLY COPY).

The authoritative reference and input builder live on the scoring server;
editing this copy changes nothing except your own understanding.
"""

import jax, jax.numpy as jnp
import numpy as np

N = 10000
E = 160000
IN_DIM = 128
OUT_DIM = 128
N_REL = 13
N_BASES = 2


def setup_inputs(seed: int = 0) -> dict:
    key = jax.random.key(seed)
    ks = jax.random.split(key, 7)
    x = jax.random.normal(ks[0], (N, IN_DIM), dtype=jnp.float32)
    edge_index = jax.random.randint(ks[1], (2, E), 0, N)
    edge_type = jax.random.randint(ks[2], (E,), 0, N_REL)
    # Self-loop linear (W_self in (in, out) layout, bias b_self)
    W_self = jax.random.normal(ks[3], (IN_DIM, OUT_DIM), dtype=jnp.float32) * (1.0 / np.sqrt(IN_DIM))
    b_self = jnp.zeros((OUT_DIM,), dtype=jnp.float32)
    # Basis decomposition params (xavier-ish init)
    bases = jax.random.normal(ks[4], (N_BASES, IN_DIM, OUT_DIM), dtype=jnp.float32) * np.sqrt(2.0 / (IN_DIM + OUT_DIM))
    coefficients = jax.random.normal(ks[5], (N_REL, N_BASES), dtype=jnp.float32) * np.sqrt(2.0 / (N_REL + N_BASES))
    return {
        "node_features": x,
        "edge_index": edge_index,
        "edge_type": edge_type,
        "W_self": W_self,
        "b_self": b_self,
        "bases": bases,
        "coefficients": coefficients,
    }


def reference(node_features, edge_index, edge_type, W_self, b_self, bases, coefficients):
    # Faithful translation of RGCNLayer.forward (eval mode, dropout p=0.0).
    # Note: the torch code computes deg/norm but never applies it, so the
    # output is W_self(x) + sum_r scatter_add(x[src_r] @ W_r, tgt_r), relu'd.
    src = edge_index[0]
    tgt = edge_index[1]
    out = node_features @ W_self + b_self
    # W_r = sum_b coefficients[r, b] * bases[b]; exploit linearity:
    # msg_e = x[src_e] @ W_{type_e} = sum_b coeff[type_e, b] * (x[src_e] @ bases[b])
    a = coefficients[edge_type]  # (E, N_BASES) gather
    msg = jnp.zeros((src.shape[0], out.shape[1]), dtype=node_features.dtype)
    for b in range(bases.shape[0]):
        Hb = node_features @ bases[b]      # (N, OUT_DIM)
        msg = msg + a[:, b][:, None] * Hb[src]  # per-edge gather
    out = out.at[tgt].add(msg)  # scatter-add over destination nodes
    out = jax.nn.relu(out)
    return out

if __name__ == "__main__":
    import jax
    _d = setup_inputs()
    print(jax.jit(kernel)(*tuple(_d.values())))

</pallas_src>

<mosaic_0001>
#map = affine_map<(d0, d1) -> (0, 0)>
#map1 = affine_map<(d0, d1) -> (0, 0, 0)>
module attributes {stable_mosaic.version = 14 : i64} {
  func.func @_sc_body(%arg0: i32, %arg1: i32, %arg2: memref<130000x128xf32, #tpu.memory_space<hbm>>, %arg3: memref<1280x128xi32, #tpu.memory_space<hbm>>, %arg4: memref<1280x128xi32, #tpu.memory_space<hbm>>, %arg5: memref<2x10000x128xf32, #tpu.memory_space<hbm>>, %arg6: memref<4x128xi32, #tpu.memory_space<vmem>>, %arg7: memref<4x128xi32, #tpu.memory_space<vmem>>, %arg8: memref<2x128x128xf32, #tpu.memory_space<vmem>>, %arg9: memref<10112x128xf32, #tpu.memory_space<vmem_shared>>, %arg10: memref<4x!tpu.dma_semaphore, #tpu.memory_space<semaphore_mem>>, %arg11: memref<4x!tpu.dma_semaphore, #tpu.memory_space<semaphore_mem>>, %arg12: memref<2x!tpu.dma_semaphore, #tpu.memory_space<semaphore_mem>>, %arg13: memref<2x!tpu.dma_semaphore, #tpu.memory_space<semaphore_mem>>) attributes {dimension_semantics = [#tpu.dimension_semantics<core_parallel>, #tpu.dimension_semantics<subcore_parallel>], iteration_bounds = array<i64: 2, 16>, scalar_prefetch = 0 : i64, scratch_operands = 8 : i64, tpu.core_type = #tpu.core_type<sc_vector_subcore>, window_params = [{transform_indices = #map}, {transform_indices = #map}, {transform_indices = #map}, {transform_indices = #map1}]} {
    %scan3A = arith.constant 0 : i32
    %scan3A_0 = arith.constant 128 : i32
    %scan3A_1 = arith.addi %scan3A, %scan3A_0 : i32
    %scan3A_2 = arith.constant 1 : i32
    scf.for %scan3A_174 = %scan3A to %scan3A_1 step %scan3A_2  : i32 {
      %mul3A_175 = arith.constant 1 : i32
      %mul3A_176 = arith.muli %scan3A_174, %mul3A_175 : i32
      %add3A_177 = arith.constant 0 : i32
      %add3A_178 = arith.addi %add3A_177, %mul3A_176 : i32
      %broadcast_in_dim3A = arith.constant 0.000000e+00 : f32
      %broadcast_in_dim3A_179 = vector.broadcast %broadcast_in_dim3A : f32 to vector<16xf32>
      %swap3A = arith.constant 0 : i32
      %swap3A_180 = arith.index_cast %swap3A : i32 to index
      %swap3A_181 = arith.index_cast %add3A_178 : i32 to index
      %swap3A_182 = arith.constant 0 : index
      %swap3A_183 = tpu.vector_load %arg8[%swap3A_180, %swap3A_181, %swap3A_182] {strides = array<i32>} : memref<2x128x128xf32, #tpu.memory_space<vmem>>, vector<1x1x16xf32>,
      %swap3A_184 = vector.shape_cast %swap3A_183 : vector<1x1x16xf32> to vector<16xf32>
      %swap3A_185 = vector.shape_cast %broadcast_in_dim3A_179 : vector<16xf32> to vector<1x1x16xf32>
      tpu.vector_store %arg8[%swap3A_180, %swap3A_181, %swap3A_182], %swap3A_185 {strides = array<i32>} : memref<2x128x128xf32, #tpu.memory_space<vmem>>, vector<1x1x16xf32>,
      %broadcast_in_dim3A_186 = arith.constant 0.000000e+00 : f32
      %broadcast_in_dim3A_187 = vector.broadcast %broadcast_in_dim3A_186 : f32 to vector<16xf32>
      %swap3A_188 = arith.constant 0 : i32
      %swap3A_189 = arith.index_cast %swap3A_188 : i32 to index
      %swap3A_190 = arith.index_cast %add3A_178 : i32 to index
      %swap3A_191 = arith.constant 16 : index
      %swap3A_192 = tpu.vector_load %arg8[%swap3A_189, %swap3A_190, %swap3A_191] {strides = array<i32>} : memref<2x128x128xf32, #tpu.memory_space<vmem>>, vector<1x1x16xf32>,
      %swap3A_193 = vector.shape_cast %swap3A_192 : vector<1x1x16xf32> to vector<16xf32>
      %swap3A_194 = vector.shape_cast %broadcast_in_dim3A_187 : vector<16xf32> to vector<1x1x16xf32>
      tpu.vector_store %arg8[%swap3A_189, %swap3A_190, %swap3A_191], %swap3A_194 {strides = array<i32>} : memref<2x128x128xf32, #tpu.memory_space<vmem>>, vector<1x1x16xf32>,
      %broadcast_in_dim3A_195 = arith.constant 0.000000e+00 : f32
      %broadcast_in_dim3A_196 = vector.broadcast %broadcast_in_dim3A_195 : f32 to vector<16xf32>
      %swap3A_197 = arith.constant 0 : i32
      %swap3A_198 = arith.index_cast %swap3A_197 : i32 to index
      %swap3A_199 = arith.index_cast %add3A_178 : i32 to index
      %swap3A_200 = arith.constant 32 : index
      %swap3A_201 = tpu.vector_load %arg8[%swap3A_198, %swap3A_199, %swap3A_200] {strides = array<i32>} : memref<2x128x128xf32, #tpu.memory_space<vmem>>, vector<1x1x16xf32>,
      %swap3A_202 = vector.shape_cast %swap3A_201 : vector<1x1x16xf32> to vector<16xf32>
      %swap3A_203 = vector.shape_cast %broadcast_in_dim3A_196 : vector<16xf32> to vector<1x1x16xf32>
      tpu.vector_store %arg8[%swap3A_198, %swap3A_199, %swap3A_200], %swap3A_203 {strides = array<i32>} : memref<2x128x128xf32, #tpu.memory_space<vmem>>, vector<1x1x16xf32>,
      %broadcast_in_dim3A_204 = arith.constant 0.000000e+00 : f32
      %broadcast_in_dim3A_205 = vector.broadcast %broadcast_in_dim3A_204 : f32 to vector<16xf32>
      %swap3A_206 = arith.constant 0 : i32
      %swap3A_207 = arith.index_cast %swap3A_206 : i32 to index
      %swap3A_208 = arith.index_cast %add3A_178 : i32 to index
      %swap3A_209 = arith.constant 48 : index
      %swap3A_210 = tpu.vector_load %arg8[%swap3A_207, %swap3A_208, %swap3A_209] {strides = array<i32>} : memref<2x128x128xf32, #tpu.memory_space<vmem>>, vector<1x1x16xf32>,
      %swap3A_211 = vector.shape_cast %swap3A_210 : vector<1x1x16xf32> to vector<16xf32>
      %swap3A_212 = vector.shape_cast %broadcast_in_dim3A_205 : vector<16xf32> to vector<1x1x16xf32>
      tpu.vector_store %arg8[%swap3A_207, %swap3A_208, %swap3A_209], %swap3A_212 {strides = array<i32>} : memref<2x128x128xf32, #tpu.memory_space<vmem>>, vector<1x1x16xf32>,
      %broadcast_in_dim3A_213 = arith.constant 0.000000e+00 : f32
      %broadcast_in_dim3A_214 = vector.broadcast %broadcast_in_dim3A_213 : f32 to vector<16xf32>
      %swap3A_215 = arith.constant 0 : i32
      %swap3A_216 = arith.index_cast %swap3A_215 : i32 to index
      %swap3A_217 = arith.index_cast %add3A_178 : i32 to index
      %swap3A_218 = arith.constant 64 : index
      %swap3A_219 = tpu.vector_load %arg8[%swap3A_216, %swap3A_217, %swap3A_218] {strides = array<i32>} : memref<2x128x128xf32, #tpu.memory_space<vmem>>, vector<1x1x16xf32>,
      %swap3A_220 = vector.shape_cast %swap3A_219 : vector<1x1x16xf32> to vector<16xf32>
      %swap3A_221 = vector.shape_cast %broadcast_in_dim3A_214 : vector<16xf32> to vector<1x1x16xf32>
      tpu.vector_store %arg8[%swap3A_216, %swap3A_217, %swap3A_218], %swap3A_221 {strides = array<i32>} : memref<2x128x128xf32, #tpu.memory_space<vmem>>, vector<1x1x16xf32>,
      %broadcast_in_dim3A_222 = arith.constant 0.000000e+00 : f32
      %broadcast_in_dim3A_223 = vector.broadcast %broadcast_in_dim3A_222 : f32 to vector<16xf32>
      %swap3A_224 = arith.constant 0 : i32
      %swap3A_225 = arith.index_cast %swap3A_224 : i32 to index
      %swap3A_226 = arith.index_cast %add3A_178 : i32 to index
      %swap3A_227 = arith.constant 80 : index
      %swap3A_228 = tpu.vector_load %arg8[%swap3A_225, %swap3A_226, %swap3A_227] {strides = array<i32>} : memref<2x128x128xf32, #tpu.memory_space<vmem>>, vector<1x1x16xf32>,
      %swap3A_229 = vector.shape_cast %swap3A_228 : vector<1x1x16xf32> to vector<16xf32>
      %swap3A_230 = vector.shape_cast %broadcast_in_dim3A_223 : vector<16xf32> to vector<1x1x16xf32>
      tpu.vector_store %arg8[%swap3A_225, %swap3A_226, %swap3A_227], %swap3A_230 {strides = array<i32>} : memref<2x128x128xf32, #tpu.memory_space<vmem>>, vector<1x1x16xf32>,
      %broadcast_in_dim3A_231 = arith.constant 0.000000e+00 : f32
      %broadcast_in_dim3A_232 = vector.broadcast %broadcast_in_dim3A_231 : f32 to vector<16xf32>
      %swap3A_233 = arith.constant 0 : i32
      %swap3A_234 = arith.index_cast %swap3A_233 : i32 to index
      %swap3A_235 = arith.index_cast %add3A_178 : i32 to index
      %swap3A_236 = arith.constant 96 : index
      %swap3A_237 = tpu.vector_load %arg8[%swap3A_234, %swap3A_235, %swap3A_236] {strides = array<i32>} : memref<2x128x128xf32, #tpu.memory_space<vmem>>, vector<1x1x16xf32>,
      %swap3A_238 = vector.shape_cast %swap3A_237 : vector<1x1x16xf32> to vector<16xf32>
      %swap3A_239 = vector.shape_cast %broadcast_in_dim3A_232 : vector<16xf32> to vector<1x1x16xf32>
      tpu.vector_store %arg8[%swap3A_234, %swap3A_235, %swap3A_236], %swap3A_239 {strides = array<i32>} : memref<2x128x128xf32, #tpu.memory_space<vmem>>, vector<1x1x16xf32>,
      %broadcast_in_dim3A_240 = arith.constant 0.000000e+00 : f32
      %broadcast_in_dim3A_241 = vector.broadcast %broadcast_in_dim3A_240 : f32 to vector<16xf32>
      %swap3A_242 = arith.constant 0 : i32
      %swap3A_243 = arith.index_cast %swap3A_242 : i32 to index
      %swap3A_244 = arith.index_cast %add3A_178 : i32 to index
      %swap3A_245 = arith.constant 112 : index
      %swap3A_246 = tpu.vector_load %arg8[%swap3A_243, %swap3A_244, %swap3A_245] {strides = array<i32>} : memref<2x128x128xf32, #tpu.memory_space<vmem>>, vector<1x1x16xf32>,
      %swap3A_247 = vector.shape_cast %swap3A_246 : vector<1x1x16xf32> to vector<16xf32>
      %swap3A_248 = vector.shape_cast %broadcast_in_dim3A_241 : vector<16xf32> to vector<1x1x16xf32>
      tpu.vector_store %arg8[%swap3A_243, %swap3A_244, %swap3A_245], %swap3A_248 {strides = array<i32>} : memref<2x128x128xf32, #tpu.memory_space<vmem>>, vector<1x1x16xf32>,
    }
    %scan3A_3 = arith.constant 128 : i32
    %mul3A = arith.constant 632 : i32
    %mul3A_4 = arith.muli %arg1, %mul3A : i32
    %add3A = arith.constant 0 : i32
    %add3A_5 = arith.addi %mul3A_4, %add3A : i32
    %run_scoped3A = arith.constant 0 : i32
    "tpu.region"() ({
      %run_scoped3A_174 = tpu.sem_alloc : memref<!tpu.dma_semaphore, #tpu.memory_space<semaphore_mem>>
      %dma_start3A_175 = arith.constant 0 : i32
      %dma_start3A_176 = arith.constant 0 : i32
      %dma_start3A_177 = tpu.memref_slice %arg8[%run_scoped3A, %dma_start3A_175, %dma_start3A_176] : memref<2x128x128xf32, #tpu.memory_space<vmem>> -> memref<1x128x128xf32, #tpu.memory_space<vmem>>
      %dma_start3A_178 = tpu.memref_squeeze %dma_start3A_177 : memref<1x128x128xf32, #tpu.memory_space<vmem>> -> memref<128x128xf32, #tpu.memory_space<vmem>>
      %dma_start3A_179 = arith.constant 0 : i32
      %dma_start3A_180 = tpu.memref_slice %arg9[%add3A_5, %dma_start3A_179] : memref<10112x128xf32, #tpu.memory_space<vmem_shared>> -> memref<128x128xf32, #tpu.memory_space<vmem_shared>>
      %dma_start3A_181 = arith.constant 0 : i32
      %dma_start3A_182 = tpu.memref_slice %arg9[%add3A_5, %dma_start3A_181] : memref<10112x128xf32, #tpu.memory_space<vmem_shared>> -> memref<128x128xf32, #tpu.memory_space<vmem_shared>>
      %dma_start3A_183 = arith.constant 0 : i32
      %dma_start3A_184 = arith.constant 0 : i32
      %dma_start3A_185 = tpu.memref_slice %arg8[%run_scoped3A, %dma_start3A_183, %dma_start3A_184] : memref<2x128x128xf32, #tpu.memory_space<vmem>> -> memref<1x128x128xf32, #tpu.memory_space<vmem>>
      %dma_start3A_186 = tpu.memref_squeeze %dma_start3A_185 : memref<1x128x128xf32, #tpu.memory_space<vmem>> -> memref<128x128xf32, #tpu.memory_space<vmem>>
      tpu.enqueue_dma source(%dma_start3A_186 : memref<128x128xf32, #tpu.memory_space<vmem>>) target(%dma_start3A_182 : memref<128x128xf32, #tpu.memory_space<vmem_shared>>) target_semaphore(%run_scoped3A_174 : memref<!tpu.dma_semaphore, #tpu.memory_space<semaphore_mem>>)
      %dma_wait3A_187 = arith.constant 0 : i32
      %dma_wait3A_188 = arith.constant 0 : i32
      %dma_wait3A_189 = tpu.memref_slice %arg8[%run_scoped3A, %dma_wait3A_187, %dma_wait3A_188] : memref<2x128x128xf32, #tpu.memory_space<vmem>> -> memref<1x128x128xf32, #tpu.memory_space<vmem>>
      %dma_wait3A_190 = tpu.memref_squeeze %dma_wait3A_189 : memref<1x128x128xf32, #tpu.memory_space<vmem>> -> memref<128x128xf32, #tpu.memory_space<vmem>>
      %dma_wait3A_191 = arith.constant 0 : i32
      %dma_wait3A_192 = tpu.memref_slice %arg9[%add3A_5, %dma_wait3A_191] : memref<10112x128xf32, #tpu.memory_space<vmem_shared>> -> memref<128x128xf32, #tpu.memory_space<vmem_shared>>
      %dma_wait3A_193 = arith.constant 0 : i32
      %dma_wait3A_194 = tpu.memref_slice %arg9[%add3A_5, %dma_wait3A_193] : memref<10112x128xf32, #tpu.memory_space<vmem_shared>> -> memref<128x128xf32, #tpu.memory_space<vmem_shared>>
      %dma_wait3A_195 = arith.constant 0 : i32
      %dma_wait3A_196 = arith.constant 0 : i32
      %dma_wait3A_197 = tpu.memref_slice %arg8[%run_scoped3A, %dma_wait3A_195, %dma_wait3A_196] : memref<2x128x128xf32, #tpu.memory_space<vmem>> -> memref<1x128x128xf32, #tpu.memory_space<vmem>>
      %dma_wait3A_198 = tpu.memref_squeeze %dma_wait3A_197 : memref<1x128x128xf32, #tpu.memory_space<vmem>> -> memref<128x128xf32, #tpu.memory_space<vmem>>
      tpu.wait_dma2 semaphore(%run_scoped3A_174 : memref<!tpu.dma_semaphore, #tpu.memory_space<semaphore_mem>>) src(%dma_wait3A_198 : memref<128x128xf32, #tpu.memory_space<vmem>>) dst(%dma_wait3A_194 : memref<128x128xf32, #tpu.memory_space<vmem_shared>>)
      tpu.yield
    }) : () -> ()
    %mul3A_6 = arith.constant 632 : i32
    %mul3A_7 = arith.muli %arg1, %mul3A_6 : i32
    %add3A_8 = arith.constant 128 : i32
    %add3A_9 = arith.addi %mul3A_7, %add3A_8 : i32
    %run_scoped3A_10 = arith.constant 0 : i32
    "tpu.region"() ({
      %run_scoped3A_174 = tpu.sem_alloc : memref<!tpu.dma_semaphore, #tpu.memory_space<semaphore_mem>>
      %dma_start3A_175 = arith.constant 0 : i32
      %dma_start3A_176 = arith.constant 0 : i32
      %dma_start3A_177 = tpu.memref_slice %arg8[%run_scoped3A_10, %dma_start3A_175, %dma_start3A_176] : memref<2x128x128xf32, #tpu.memory_space<vmem>> -> memref<1x128x128xf32, #tpu.memory_space<vmem>>
      %dma_start3A_178 = tpu.memref_squeeze %dma_start3A_177 : memref<1x128x128xf32, #tpu.memory_space<vmem>> -> memref<128x128xf32, #tpu.memory_space<vmem>>
      %dma_start3A_179 = arith.constant 0 : i32
      %dma_start3A_180 = tpu.memref_slice %arg9[%add3A_9, %dma_start3A_179] : memref<10112x128xf32, #tpu.memory_space<vmem_shared>> -> memref<128x128xf32, #tpu.memory_space<vmem_shared>>
      %dma_start3A_181 = arith.constant 0 : i32
      %dma_start3A_182 = tpu.memref_slice %arg9[%add3A_9, %dma_start3A_181] : memref<10112x128xf32, #tpu.memory_space<vmem_shared>> -> memref<128x128xf32, #tpu.memory_space<vmem_shared>>
      %dma_start3A_183 = arith.constant 0 : i32
      %dma_start3A_184 = arith.constant 0 : i32
      %dma_start3A_185 = tpu.memref_slice %arg8[%run_scoped3A_10, %dma_start3A_183, %dma_start3A_184] : memref<2x128x128xf32, #tpu.memory_space<vmem>> -> memref<1x128x128xf32, #tpu.memory_space<vmem>>
      %dma_start3A_186 = tpu.memref_squeeze %dma_start3A_185 : memref<1x128x128xf32, #tpu.memory_space<vmem>> -> memref<128x128xf32, #tpu.memory_space<vmem>>
      tpu.enqueue_dma source(%dma_start3A_186 : memref<128x128xf32, #tpu.memory_space<vmem>>) target(%dma_start3A_182 : memref<128x128xf32, #tpu.memory_space<vmem_shared>>) target_semaphore(%run_scoped3A_174 : memref<!tpu.dma_semaphore, #tpu.memory_space<semaphore_mem>>)
      %dma_wait3A_187 = arith.constant 0 : i32
      %dma_wait3A_188 = arith.constant 0 : i32
      %dma_wait3A_189 = tpu.memref_slice %arg8[%run_scoped3A_10, %dma_wait3A_187, %dma_wait3A_188] : memref<2x128x128xf32, #tpu.memory_space<vmem>> -> memref<1x128x128xf32, #tpu.memory_space<vmem>>
      %dma_wait3A_190 = tpu.memref_squeeze %dma_wait3A_189 : memref<1x128x128xf32, #tpu.memory_space<vmem>> -> memref<128x128xf32, #tpu.memory_space<vmem>>
      %dma_wait3A_191 = arith.constant 0 : i32
      %dma_wait3A_192 = tpu.memref_slice %arg9[%add3A_9, %dma_wait3A_191] : memref<10112x128xf32, #tpu.memory_space<vmem_shared>> -> memref<128x128xf32, #tpu.memory_space<vmem_shared>>
      %dma_wait3A_193 = arith.constant 0 : i32
      %dma_wait3A_194 = tpu.memref_slice %arg9[%add3A_9, %dma_wait3A_193] : memref<10112x128xf32, #tpu.memory_space<vmem_shared>> -> memref<128x128xf32, #tpu.memory_space<vmem_shared>>
      %dma_wait3A_195 = arith.constant 0 : i32
      %dma_wait3A_196 = arith.constant 0 : i32
      %dma_wait3A_197 = tpu.memref_slice %arg8[%run_scoped3A_10, %dma_wait3A_195, %dma_wait3A_196] : memref<2x128x128xf32, #tpu.memory_space<vmem>> -> memref<1x128x128xf32, #tpu.memory_space<vmem>>
      %dma_wait3A_198 = tpu.memref_squeeze %dma_wait3A_197 : memref<1x128x128xf32, #tpu.memory_space<vmem>> -> memref<128x128xf32, #tpu.memory_space<vmem>>
      tpu.wait_dma2 semaphore(%run_scoped3A_174 : memref<!tpu.dma_semaphore, #tpu.memory_space<semaphore_mem>>) src(%dma_wait3A_198 : memref<128x128xf32, #tpu.memory_space<vmem>>) dst(%dma_wait3A_194 : memref<128x128xf32, #tpu.memory_space<vmem_shared>>)
      tpu.yield
    }) : () -> ()
    %mul3A_11 = arith.constant 632 : i32
    %mul3A_12 = arith.muli %arg1, %mul3A_11 : i32
    %add3A_13 = arith.constant 256 : i32
    %add3A_14 = arith.addi %mul3A_12, %add3A_13 : i32
    %run_scoped3A_15 = arith.constant 0 : i32
    "tpu.region"() ({
      %run_scoped3A_174 = tpu.sem_alloc : memref<!tpu.dma_semaphore, #tpu.memory_space<semaphore_mem>>
      %dma_start3A_175 = arith.constant 0 : i32
      %dma_start3A_176 = arith.constant 0 : i32
      %dma_start3A_177 = tpu.memref_slice %arg8[%run_scoped3A_15, %dma_start3A_175, %dma_start3A_176] : memref<2x128x128xf32, #tpu.memory_space<vmem>> -> memref<1x128x128xf32, #tpu.memory_space<vmem>>
      %dma_start3A_178 = tpu.memref_squeeze %dma_start3A_177 : memref<1x128x128xf32, #tpu.memory_space<vmem>> -> memref<128x128xf32, #tpu.memory_space<vmem>>
      %dma_start3A_179 = arith.constant 0 : i32
      %dma_start3A_180 = tpu.memref_slice %arg9[%add3A_14, %dma_start3A_179] : memref<10112x128xf32, #tpu.memory_space<vmem_shared>> -> memref<128x128xf32, #tpu.memory_space<vmem_shared>>
      %dma_start3A_181 = arith.constant 0 : i32
      %dma_start3A_182 = tpu.memref_slice %arg9[%add3A_14, %dma_start3A_181] : memref<10112x128xf32, #tpu.memory_space<vmem_shared>> -> memref<128x128xf32, #tpu.memory_space<vmem_shared>>
      %dma_start3A_183 = arith.constant 0 : i32
      %dma_start3A_184 = arith.constant 0 : i32
      %dma_start3A_185 = tpu.memref_slice %arg8[%run_scoped3A_15, %dma_start3A_183, %dma_start3A_184] : memref<2x128x128xf32, #tpu.memory_space<vmem>> -> memref<1x128x128xf32, #tpu.memory_space<vmem>>
      %dma_start3A_186 = tpu.memref_squeeze %dma_start3A_185 : memref<1x128x128xf32, #tpu.memory_space<vmem>> -> memref<128x128xf32, #tpu.memory_space<vmem>>
      tpu.enqueue_dma source(%dma_start3A_186 : memref<128x128xf32, #tpu.memory_space<vmem>>) target(%dma_start3A_182 : memref<128x128xf32, #tpu.memory_space<vmem_shared>>) target_semaphore(%run_scoped3A_174 : memref<!tpu.dma_semaphore, #tpu.memory_space<semaphore_mem>>)
      %dma_wait3A_187 = arith.constant 0 : i32
      %dma_wait3A_188 = arith.constant 0 : i32
      %dma_wait3A_189 = tpu.memref_slice %arg8[%run_scoped3A_15, %dma_wait3A_187, %dma_wait3A_188] : memref<2x128x128xf32, #tpu.memory_space<vmem>> -> memref<1x128x128xf32, #tpu.memory_space<vmem>>
      %dma_wait3A_190 = tpu.memref_squeeze %dma_wait3A_189 : memref<1x128x128xf32, #tpu.memory_space<vmem>> -> memref<128x128xf32, #tpu.memory_space<vmem>>
      %dma_wait3A_191 = arith.constant 0 : i32
      %dma_wait3A_192 = tpu.memref_slice %arg9[%add3A_14, %dma_wait3A_191] : memref<10112x128xf32, #tpu.memory_space<vmem_shared>> -> memref<128x128xf32, #tpu.memory_space<vmem_shared>>
      %dma_wait3A_193 = arith.constant 0 : i32
      %dma_wait3A_194 = tpu.memref_slice %arg9[%add3A_14, %dma_wait3A_193] : memref<10112x128xf32, #tpu.memory_space<vmem_shared>> -> memref<128x128xf32, #tpu.memory_space<vmem_shared>>
      %dma_wait3A_195 = arith.constant 0 : i32
      %dma_wait3A_196 = arith.constant 0 : i32
      %dma_wait3A_197 = tpu.memref_slice %arg8[%run_scoped3A_15, %dma_wait3A_195, %dma_wait3A_196] : memref<2x128x128xf32, #tpu.memory_space<vmem>> -> memref<1x128x128xf32, #tpu.memory_space<vmem>>
      %dma_wait3A_198 = tpu.memref_squeeze %dma_wait3A_197 : memref<1x128x128xf32, #tpu.memory_space<vmem>> -> memref<128x128xf32, #tpu.memory_space<vmem>>
      tpu.wait_dma2 semaphore(%run_scoped3A_174 : memref<!tpu.dma_semaphore, #tpu.memory_space<semaphore_mem>>) src(%dma_wait3A_198 : memref<128x128xf32, #tpu.memory_space<vmem>>) dst(%dma_wait3A_194 : memref<128x128xf32, #tpu.memory_space<vmem_shared>>)
      tpu.yield
    }) : () -> ()
    %mul3A_16 = arith.constant 632 : i32
    %mul3A_17 = arith.muli %arg1, %mul3A_16 : i32
    %add3A_18 = arith.constant 384 : i32
    %add3A_19 = arith.addi %mul3A_17, %add3A_18 : i32
    %run_scoped3A_20 = arith.constant 0 : i32
    "tpu.region"() ({
      %run_scoped3A_174 = tpu.sem_alloc : memref<!tpu.dma_semaphore, #tpu.memory_space<semaphore_mem>>
      %dma_start3A_175 = arith.constant 0 : i32
      %dma_start3A_176 = arith.constant 0 : i32
      %dma_start3A_177 = tpu.memref_slice %arg8[%run_scoped3A_20, %dma_start3A_175, %dma_start3A_176] : memref<2x128x128xf32, #tpu.memory_space<vmem>> -> memref<1x128x128xf32, #tpu.memory_space<vmem>>
      %dma_start3A_178 = tpu.memref_squeeze %dma_start3A_177 : memref<1x128x128xf32, #tpu.memory_space<vmem>> -> memref<128x128xf32, #tpu.memory_space<vmem>>
      %dma_start3A_179 = arith.constant 0 : i32
      %dma_start3A_180 = tpu.memref_slice %arg9[%add3A_19, %dma_start3A_179] : memref<10112x128xf32, #tpu.memory_space<vmem_shared>> -> memref<128x128xf32, #tpu.memory_space<vmem_shared>>
      %dma_start3A_181 = arith.constant 0 : i32
      %dma_start3A_182 = tpu.memref_slice %arg9[%add3A_19, %dma_start3A_181] : memref<10112x128xf32, #tpu.memory_space<vmem_shared>> -> memref<128x128xf32, #tpu.memory_space<vmem_shared>>
      %dma_start3A_183 = arith.constant 0 : i32
      %dma_start3A_184 = arith.constant 0 : i32
      %dma_start3A_185 = tpu.memref_slice %arg8[%run_scoped3A_20, %dma_start3A_183, %dma_start3A_184] : memref<2x128x128xf32, #tpu.memory_space<vmem>> -> memref<1x128x128xf32, #tpu.memory_space<vmem>>
      %dma_start3A_186 = tpu.memref_squeeze %dma_start3A_185 : memref<1x128x128xf32, #tpu.memory_space<vmem>> -> memref<128x128xf32, #tpu.memory_space<vmem>>
      tpu.enqueue_dma source(%dma_start3A_186 : memref<128x128xf32, #tpu.memory_space<vmem>>) target(%dma_start3A_182 : memref<128x128xf32, #tpu.memory_space<vmem_shared>>) target_semaphore(%run_scoped3A_174 : memref<!tpu.dma_semaphore, #tpu.memory_space<semaphore_mem>>)
      %dma_wait3A_187 = arith.constant 0 : i32
      %dma_wait3A_188 = arith.constant 0 : i32
      %dma_wait3A_189 = tpu.memref_slice %arg8[%run_scoped3A_20, %dma_wait3A_187, %dma_wait3A_188] : memref<2x128x128xf32, #tpu.memory_space<vmem>> -> memref<1x128x128xf32, #tpu.memory_space<vmem>>
      %dma_wait3A_190 = tpu.memref_squeeze %dma_wait3A_189 : memref<1x128x128xf32, #tpu.memory_space<vmem>> -> memref<128x128xf32, #tpu.memory_space<vmem>>
      %dma_wait3A_191 = arith.constant 0 : i32
      %dma_wait3A_192 = tpu.memref_slice %arg9[%add3A_19, %dma_wait3A_191] : memref<10112x128xf32, #tpu.memory_space<vmem_shared>> -> memref<128x128xf32, #tpu.memory_space<vmem_shared>>
      %dma_wait3A_193 = arith.constant 0 : i32
      %dma_wait3A_194 = tpu.memref_slice %arg9[%add3A_19, %dma_wait3A_193] : memref<10112x128xf32, #tpu.memory_space<vmem_shared>> -> memref<128x128xf32, #tpu.memory_space<vmem_shared>>
      %dma_wait3A_195 = arith.constant 0 : i32
      %dma_wait3A_196 = arith.constant 0 : i32
      %dma_wait3A_197 = tpu.memref_slice %arg8[%run_scoped3A_20, %dma_wait3A_195, %dma_wait3A_196] : memref<2x128x128xf32, #tpu.memory_space<vmem>> -> memref<1x128x128xf32, #tpu.memory_space<vmem>>
      %dma_wait3A_198 = tpu.memref_squeeze %dma_wait3A_197 : memref<1x128x128xf32, #tpu.memory_space<vmem>> -> memref<128x128xf32, #tpu.memory_space<vmem>>
      tpu.wait_dma2 semaphore(%run_scoped3A_174 : memref<!tpu.dma_semaphore, #tpu.memory_space<semaphore_mem>>) src(%dma_wait3A_198 : memref<128x128xf32, #tpu.memory_space<vmem>>) dst(%dma_wait3A_194 : memref<128x128xf32, #tpu.memory_space<vmem_shared>>)
      tpu.yield
    }) : () -> ()
    %mul3A_21 = arith.constant 632 : i32
    %mul3A_22 = arith.muli %arg1, %mul3A_21 : i32
    %add3A_23 = arith.constant 512 : i32
    %add3A_24 = arith.addi %mul3A_22, %add3A_23 : i32
    %run_scoped3A_25 = arith.constant 0 : i32
    "tpu.region"() ({
      %run_scoped3A_174 = tpu.sem_alloc : memref<!tpu.dma_semaphore, #tpu.memory_space<semaphore_mem>>
      %dma_start3A_175 = arith.constant 0 : i32
      %dma_start3A_176 = arith.constant 0 : i32
      %dma_start3A_177 = tpu.memref_slice %arg8[%run_scoped3A_25, %dma_start3A_175, %dma_start3A_176] : memref<2x128x128xf32, #tpu.memory_space<vmem>> -> memref<1x120x128xf32, #tpu.memory_space<vmem>>
      %dma_start3A_178 = tpu.memref_squeeze %dma_start3A_177 : memref<1x120x128xf32, #tpu.memory_space<vmem>> -> memref<120x128xf32, #tpu.memory_space<vmem>>
      %dma_start3A_179 = arith.constant 0 : i32
      %dma_start3A_180 = tpu.memref_slice %arg9[%add3A_24, %dma_start3A_179] : memref<10112x128xf32, #tpu.memory_space<vmem_shared>> -> memref<120x128xf32, #tpu.memory_space<vmem_shared>>
      %dma_start3A_181 = arith.constant 0 : i32
      %dma_start3A_182 = tpu.memref_slice %arg9[%add3A_24, %dma_start3A_181] : memref<10112x128xf32, #tpu.memory_space<vmem_shared>> -> memref<120x128xf32, #tpu.memory_space<vmem_shared>>
      %dma_start3A_183 = arith.constant 0 : i32
      %dma_start3A_184 = arith.constant 0 : i32
      %dma_start3A_185 = tpu.memref_slice %arg8[%run_scoped3A_25, %dma_start3A_183, %dma_start3A_184] : memref<2x128x128xf32, #tpu.memory_space<vmem>> -> memref<1x120x128xf32, #tpu.memory_space<vmem>>
      %dma_start3A_186 = tpu.memref_squeeze %dma_start3A_185 : memref<1x120x128xf32, #tpu.memory_space<vmem>> -> memref<120x128xf32, #tpu.memory_space<vmem>>
      tpu.enqueue_dma source(%dma_start3A_186 : memref<120x128xf32, #tpu.memory_space<vmem>>) target(%dma_start3A_182 : memref<120x128xf32, #tpu.memory_space<vmem_shared>>) target_semaphore(%run_scoped3A_174 : memref<!tpu.dma_semaphore, #tpu.memory_space<semaphore_mem>>)
      %dma_wait3A_187 = arith.constant 0 : i32
      %dma_wait3A_188 = arith.constant 0 : i32
      %dma_wait3A_189 = tpu.memref_slice %arg8[%run_scoped3A_25, %dma_wait3A_187, %dma_wait3A_188] : memref<2x128x128xf32, #tpu.memory_space<vmem>> -> memref<1x120x128xf32, #tpu.memory_space<vmem>>
      %dma_wait3A_190 = tpu.memref_squeeze %dma_wait3A_189 : memref<1x120x128xf32, #tpu.memory_space<vmem>> -> memref<120x128xf32, #tpu.memory_space<vmem>>
      %dma_wait3A_191 = arith.constant 0 : i32
      %dma_wait3A_192 = tpu.memref_slice %arg9[%add3A_24, %dma_wait3A_191] : memref<10112x128xf32, #tpu.memory_space<vmem_shared>> -> memref<120x128xf32, #tpu.memory_space<vmem_shared>>
      %dma_wait3A_193 = arith.constant 0 : i32
      %dma_wait3A_194 = tpu.memref_slice %arg9[%add3A_24, %dma_wait3A_193] : memref<10112x128xf32, #tpu.memory_space<vmem_shared>> -> memref<120x128xf32, #tpu.memory_space<vmem_shared>>
      %dma_wait3A_195 = arith.constant 0 : i32
      %dma_wait3A_196 = arith.constant 0 : i32
      %dma_wait3A_197 = tpu.memref_slice %arg8[%run_scoped3A_25, %dma_wait3A_195, %dma_wait3A_196] : memref<2x128x128xf32, #tpu.memory_space<vmem>> -> memref<1x120x128xf32, #tpu.memory_space<vmem>>
      %dma_wait3A_198 = tpu.memref_squeeze %dma_wait3A_197 : memref<1x120x128xf32, #tpu.memory_space<vmem>> -> memref<120x128xf32, #tpu.memory_space<vmem>>
      tpu.wait_dma2 semaphore(%run_scoped3A_174 : memref<!tpu.dma_semaphore, #tpu.memory_space<semaphore_mem>>) src(%dma_wait3A_198 : memref<120x128xf32, #tpu.memory_space<vmem>>) dst(%dma_wait3A_194 : memref<120x128xf32, #tpu.memory_space<vmem_shared>>)
      tpu.yield
    }) : () -> ()
    %barrier3A = arith.constant 0 : index
    tpu.barrier barrier_id(%barrier3A)
    %mul3A_26 = arith.constant 16 : i32
    %mul3A_27 = arith.muli %arg0, %mul3A_26 : i32
    %add3A_28 = arith.addi %mul3A_27, %arg1 : i32
    %mul3A_29 = arith.constant 40 : i32
    %mul3A_30 = arith.muli %add3A_28, %mul3A_29 : i32
    %add3A_31 = arith.constant 0 : i32
    %add3A_32 = arith.addi %mul3A_30, %add3A_31 : i32
    %dma_start3A = arith.constant 0 : i32
    %dma_start3A_33 = arith.constant 0 : i32
    %dma_start3A_34 = arith.constant 0 : i32
    %dma_start3A_35 = tpu.memref_slice %arg6[%dma_start3A_33, %dma_start3A_34] : memref<4x128xi32, #tpu.memory_space<vmem>> -> memref<1x128xi32, #tpu.memory_space<vmem>>
    %dma_start3A_36 = arith.constant 0 : i32
    %dma_start3A_37 = tpu.memref_slice %arg3[%add3A_32, %dma_start3A_36] : memref<1280x128xi32, #tpu.memory_space<hbm>> -> memref<1x128xi32, #tpu.memory_space<hbm>>
    %dma_start3A_38 = tpu.memref_slice %arg10[%dma_start3A] : memref<4x!tpu.dma_semaphore, #tpu.memory_space<semaphore_mem>> -> memref<1x!tpu.dma_semaphore, #tpu.memory_space<semaphore_mem>>
    %dma_start3A_39 = tpu.memref_squeeze %dma_start3A_38 : memref<1x!tpu.dma_semaphore, #tpu.memory_space<semaphore_mem>> -> memref<!tpu.dma_semaphore, #tpu.memory_space<semaphore_mem>>
    %dma_start3A_40 = arith.constant 0 : i32
    %dma_start3A_41 = arith.constant 0 : i32
    %dma_start3A_42 = tpu.memref_slice %arg6[%dma_start3A_40, %dma_start3A_41] : memref<4x128xi32, #tpu.memory_space<vmem>> -> memref<1x128xi32, #tpu.memory_space<vmem>>
    %dma_start3A_43 = arith.constant 0 : i32
    %dma_start3A_44 = tpu.memref_slice %arg3[%add3A_32, %dma_start3A_43] : memref<1280x128xi32, #tpu.memory_space<hbm>> -> memref<1x128xi32, #tpu.memory_space<hbm>>
    tpu.enqueue_dma source(%dma_start3A_44 : memref<1x128xi32, #tpu.memory_space<hbm>>) target(%dma_start3A_42 : memref<1x128xi32, #tpu.memory_space<vmem>>) target_semaphore(%dma_start3A_39 : memref<!tpu.dma_semaphore, #tpu.memory_space<semaphore_mem>>)
    %add3A_45 = arith.constant 0 : i32
    %add3A_46 = arith.addi %mul3A_30, %add3A_45 : i32
    %dma_start3A_47 = arith.constant 0 : i32
    %dma_start3A_48 = arith.constant 0 : i32
    %dma_start3A_49 = arith.constant 0 : i32
    %dma_start3A_50 = tpu.memref_slice %arg7[%dma_start3A_48, %dma_start3A_49] : memref<4x128xi32, #tpu.memory_space<vmem>> -> memref<1x128xi32, #tpu.memory_space<vmem>>
    %dma_start3A_51 = arith.constant 0 : i32
    %dma_start3A_52 = tpu.memref_slice %arg4[%add3A_46, %dma_start3A_51] : memref<1280x128xi32, #tpu.memory_space<hbm>> -> memref<1x128xi32, #tpu.memory_space<hbm>>
    %dma_start3A_53 = tpu.memref_slice %arg11[%dma_start3A_47] : memref<4x!tpu.dma_semaphore, #tpu.memory_space<semaphore_mem>> -> memref<1x!tpu.dma_semaphore, #tpu.memory_space<semaphore_mem>>
    %dma_start3A_54 = tpu.memref_squeeze %dma_start3A_53 : memref<1x!tpu.dma_semaphore, #tpu.memory_space<semaphore_mem>> -> memref<!tpu.dma_semaphore, #tpu.memory_space<semaphore_mem>>
    %dma_start3A_55 = arith.constant 0 : i32
    %dma_start3A_56 = arith.constant 0 : i32
    %dma_start3A_57 = tpu.memref_slice %arg7[%dma_start3A_55, %dma_start3A_56] : memref<4x128xi32, #tpu.memory_space<vmem>> -> memref<1x128xi32, #tpu.memory_space<vmem>>
    %dma_start3A_58 = arith.constant 0 : i32
    %dma_start3A_59 = tpu.memref_slice %arg4[%add3A_46, %dma_start3A_58] : memref<1280x128xi32, #tpu.memory_space<hbm>> -> memref<1x128xi32, #tpu.memory_space<hbm>>
    tpu.enqueue_dma source(%dma_start3A_59 : memref<1x128xi32, #tpu.memory_space<hbm>>) target(%dma_start3A_57 : memref<1x128xi32, #tpu.memory_space<vmem>>) target_semaphore(%dma_start3A_54 : memref<!tpu.dma_semaphore, #tpu.memory_space<semaphore_mem>>)
    %add3A_60 = arith.constant 1 : i32
    %add3A_61 = arith.addi %mul3A_30, %add3A_60 : i32
    %dma_start3A_62 = arith.constant 1 : i32
    %dma_start3A_63 = arith.constant 1 : i32
    %dma_start3A_64 = arith.constant 0 : i32
    %dma_start3A_65 = tpu.memref_slice %arg6[%dma_start3A_63, %dma_start3A_64] : memref<4x128xi32, #tpu.memory_space<vmem>> -> memref<1x128xi32, #tpu.memory_space<vmem>>
    %dma_start3A_66 = arith.constant 0 : i32
    %dma_start3A_67 = tpu.memref_slice %arg3[%add3A_61, %dma_start3A_66] : memref<1280x128xi32, #tpu.memory_space<hbm>> -> memref<1x128xi32, #tpu.memory_space<hbm>>
    %dma_start3A_68 = tpu.memref_slice %arg10[%dma_start3A_62] : memref<4x!tpu.dma_semaphore, #tpu.memory_space<semaphore_mem>> -> memref<1x!tpu.dma_semaphore, #tpu.memory_space<semaphore_mem>>
    %dma_start3A_69 = tpu.memref_squeeze %dma_start3A_68 : memref<1x!tpu.dma_semaphore, #tpu.memory_space<semaphore_mem>> -> memref<!tpu.dma_semaphore, #tpu.memory_space<semaphore_mem>>
    %dma_start3A_70 = arith.constant 1 : i32
    %dma_start3A_71 = arith.constant 0 : i32
    %dma_start3A_72 = tpu.memref_slice %arg6[%dma_start3A_70, %dma_start3A_71] : memref<4x128xi32, #tpu.memory_space<vmem>> -> memref<1x128xi32, #tpu.memory_space<vmem>>
    %dma_start3A_73 = arith.constant 0 : i32
    %dma_start3A_74 = tpu.memref_slice %arg3[%add3A_61, %dma_start3A_73] : memref<1280x128xi32, #tpu.memory_space<hbm>> -> memref<1x128xi32, #tpu.memory_space<hbm>>
    tpu.enqueue_dma source(%dma_start3A_74 : memref<1x128xi32, #tpu.memory_space<hbm>>) target(%dma_start3A_72 : memref<1x128xi32, #tpu.memory_space<vmem>>) target_semaphore(%dma_start3A_69 : memref<!tpu.dma_semaphore, #tpu.memory_space<semaphore_mem>>)
    %add3A_75 = arith.constant 1 : i32
    %add3A_76 = arith.addi %mul3A_30, %add3A_75 : i32
    %dma_start3A_77 = arith.constant 1 : i32
    %dma_start3A_78 = arith.constant 1 : i32
    %dma_start3A_79 = arith.constant 0 : i32
    %dma_start3A_80 = tpu.memref_slice %arg7[%dma_start3A_78, %dma_start3A_79] : memref<4x128xi32, #tpu.memory_space<vmem>> -> memref<1x128xi32, #tpu.memory_space<vmem>>
    %dma_start3A_81 = arith.constant 0 : i32
    %dma_start3A_82 = tpu.memref_slice %arg4[%add3A_76, %dma_start3A_81] : memref<1280x128xi32, #tpu.memory_space<hbm>> -> memref<1x128xi32, #tpu.memory_space<hbm>>
    %dma_start3A_83 = tpu.memref_slice %arg11[%dma_start3A_77] : memref<4x!tpu.dma_semaphore, #tpu.memory_space<semaphore_mem>> -> memref<1x!tpu.dma_semaphore, #tpu.memory_space<semaphore_mem>>
    %dma_start3A_84 = tpu.memref_squeeze %dma_start3A_83 : memref<1x!tpu.dma_semaphore, #tpu.memory_space<semaphore_mem>> -> memref<!tpu.dma_semaphore, #tpu.memory_space<semaphore_mem>>
    %dma_start3A_85 = arith.constant 1 : i32
    %dma_start3A_86 = arith.constant 0 : i32
    %dma_start3A_87 = tpu.memref_slice %arg7[%dma_start3A_85, %dma_start3A_86] : memref<4x128xi32, #tpu.memory_space<vmem>> -> memref<1x128xi32, #tpu.memory_space<vmem>>
    %dma_start3A_88 = arith.constant 0 : i32
    %dma_start3A_89 = tpu.memref_slice %arg4[%add3A_76, %dma_start3A_88] : memref<1280x128xi32, #tpu.memory_space<hbm>> -> memref<1x128xi32, #tpu.memory_space<hbm>>
    tpu.enqueue_dma source(%dma_start3A_89 : memref<1x128xi32, #tpu.memory_space<hbm>>) target(%dma_start3A_87 : memref<1x128xi32, #tpu.memory_space<vmem>>) target_semaphore(%dma_start3A_84 : memref<!tpu.dma_semaphore, #tpu.memory_space<semaphore_mem>>)
    %add3A_90 = arith.constant 2 : i32
    %add3A_91 = arith.addi %mul3A_30, %add3A_90 : i32
    %dma_start3A_92 = arith.constant 2 : i32
    %dma_start3A_93 = arith.constant 2 : i32
    %dma_start3A_94 = arith.constant 0 : i32
    %dma_start3A_95 = tpu.memref_slice %arg6[%dma_start3A_93, %dma_start3A_94] : memref<4x128xi32, #tpu.memory_space<vmem>> -> memref<1x128xi32, #tpu.memory_space<vmem>>
    %dma_start3A_96 = arith.constant 0 : i32
    %dma_start3A_97 = tpu.memref_slice %arg3[%add3A_91, %dma_start3A_96] : memref<1280x128xi32, #tpu.memory_space<hbm>> -> memref<1x128xi32, #tpu.memory_space<hbm>>
    %dma_start3A_98 = tpu.memref_slice %arg10[%dma_start3A_92] : memref<4x!tpu.dma_semaphore, #tpu.memory_space<semaphore_mem>> -> memref<1x!tpu.dma_semaphore, #tpu.memory_space<semaphore_mem>>
    %dma_start3A_99 = tpu.memref_squeeze %dma_start3A_98 : memref<1x!tpu.dma_semaphore, #tpu.memory_space<semaphore_mem>> -> memref<!tpu.dma_semaphore, #tpu.memory_space<semaphore_mem>>
    %dma_start3A_100 = arith.constant 2 : i32
    %dma_start3A_101 = arith.constant 0 : i32
    %dma_start3A_102 = tpu.memref_slice %arg6[%dma_start3A_100, %dma_start3A_101] : memref<4x128xi32, #tpu.memory_space<vmem>> -> memref<1x128xi32, #tpu.memory_space<vmem>>
    %dma_start3A_103 = arith.constant 0 : i32
    %dma_start3A_104 = tpu.memref_slice %arg3[%add3A_91, %dma_start3A_103] : memref<1280x128xi32, #tpu.memory_space<hbm>> -> memref<1x128xi32, #tpu.memory_space<hbm>>
    tpu.enqueue_dma source(%dma_start3A_104 : memref<1x128xi32, #tpu.memory_space<hbm>>) target(%dma_start3A_102 : memref<1x128xi32, #tpu.memory_space<vmem>>) target_semaphore(%dma_start3A_99 : memref<!tpu.dma_semaphore, #tpu.memory_space<semaphore_mem>>)
    %add3A_105 = arith.constant 2 : i32
    %add3A_106 = arith.addi %mul3A_30, %add3A_105 : i32
    %dma_start3A_107 = arith.constant 2 : i32
    %dma_start3A_108 = arith.constant 2 : i32
    %dma_start3A_109 = arith.constant 0 : i32
    %dma_start3A_110 = tpu.memref_slice %arg7[%dma_start3A_108, %dma_start3A_109] : memref<4x128xi32, #tpu.memory_space<vmem>> -> memref<1x128xi32, #tpu.memory_space<vmem>>
    %dma_start3A_111 = arith.constant 0 : i32
    %dma_start3A_112 = tpu.memref_slice %arg4[%add3A_106, %dma_start3A_111] : memref<1280x128xi32, #tpu.memory_space<hbm>> -> memref<1x128xi32, #tpu.memory_space<hbm>>
    %dma_start3A_113 = tpu.memref_slice %arg11[%dma_start3A_107] : memref<4x!tpu.dma_semaphore, #tpu.memory_space<semaphore_mem>> -> memref<1x!tpu.dma_semaphore, #tpu.memory_space<semaphore_mem>>
    %dma_start3A_114 = tpu.memref_squeeze %dma_start3A_113 : memref<1x!tpu.dma_semaphore, #tpu.memory_space<semaphore_mem>> -> memref<!tpu.dma_semaphore, #tpu.memory_space<semaphore_mem>>
    %dma_start3A_115 = arith.constant 2 : i32
    %dma_start3A_116 = arith.constant 0 : i32
    %dma_start3A_117 = tpu.memref_slice %arg7[%dma_start3A_115, %dma_start3A_116] : memref<4x128xi32, #tpu.memory_space<vmem>> -> memref<1x128xi32, #tpu.memory_space<vmem>>
    %dma_start3A_118 = arith.constant 0 : i32
    %dma_start3A_119 = tpu.memref_slice %arg4[%add3A_106, %dma_start3A_118] : memref<1280x128xi32, #tpu.memory_space<hbm>> -> memref<1x128xi32, #tpu.memory_space<hbm>>
    tpu.enqueue_dma source(%dma_start3A_119 : memref<1x128xi32, #tpu.memory_space<hbm>>) target(%dma_start3A_117 : memref<1x128xi32, #tpu.memory_space<vmem>>) target_semaphore(%dma_start3A_114 : memref<!tpu.dma_semaphore, #tpu.memory_space<semaphore_mem>>)
    %dma_wait3A = arith.constant 0 : i32
    %dma_wait3A_120 = arith.constant 0 : i32
    %dma_wait3A_121 = arith.constant 0 : i32
    %dma_wait3A_122 = tpu.memref_slice %arg6[%dma_wait3A_120, %dma_wait3A_121] : memref<4x128xi32, #tpu.memory_space<vmem>> -> memref<1x128xi32, #tpu.memory_space<vmem>>
    %dma_wait3A_123 = arith.constant 0 : i32
    %dma_wait3A_124 = tpu.memref_slice %arg3[%mul3A_30, %dma_wait3A_123] : memref<1280x128xi32, #tpu.memory_space<hbm>> -> memref<1x128xi32, #tpu.memory_space<hbm>>
    %dma_wait3A_125 = tpu.memref_slice %arg10[%dma_wait3A] : memref<4x!tpu.dma_semaphore, #tpu.memory_space<semaphore_mem>> -> memref<1x!tpu.dma_semaphore, #tpu.memory_space<semaphore_mem>>
    %dma_wait3A_126 = tpu.memref_squeeze %dma_wait3A_125 : memref<1x!tpu.dma_semaphore, #tpu.memory_space<semaphore_mem>> -> memref<!tpu.dma_semaphore, #tpu.memory_space<semaphore_mem>>
    %dma_wait3A_127 = arith.constant 0 : i32
    %dma_wait3A_128 = arith.constant 0 : i32
    %dma_wait3A_129 = tpu.memref_slice %arg6[%dma_wait3A_127, %dma_wait3A_128] : memref<4x128xi32, #tpu.memory_space<vmem>> -> memref<1x128xi32, #tpu.memory_space<vmem>>
    %dma_wait3A_130 = arith.constant 0 : i32
    %dma_wait3A_131 = tpu.memref_slice %arg3[%mul3A_30, %dma_wait3A_130] : memref<1280x128xi32, #tpu.memory_space<hbm>> -> memref<1x128xi32, #tpu.memory_space<hbm>>
    tpu.wait_dma2 semaphore(%dma_wait3A_126 : memref<!tpu.dma_semaphore, #tpu.memory_space<semaphore_mem>>) src(%dma_wait3A_131 : memref<1x128xi32, #tpu.memory_space<hbm>>) dst(%dma_wait3A_129 : memref<1x128xi32, #tpu.memory_space<vmem>>)
    %dma_start3A_132 = arith.constant 0 : i32
    %dma_start3A_133 = arith.constant 0 : i32
    %dma_start3A_134 = arith.constant 0 : i32
    %dma_start3A_135 = arith.constant 0 : i32
    %dma_start3A_136 = arith.constant 0 : i32
    %dma_start3A_137 = tpu.memref_slice %arg8[%dma_start3A_133, %dma_start3A_135, %dma_start3A_136] : memref<2x128x128xf32, #tpu.memory_space<vmem>> -> memref<1x128x128xf32, #tpu.memory_space<vmem>>
    %dma_start3A_138 = tpu.memref_squeeze %dma_start3A_137 : memref<1x128x128xf32, #tpu.memory_space<vmem>> -> memref<128x128xf32, #tpu.memory_space<vmem>>
    %dma_start3A_139 = arith.constant 0 : i32
    %dma_start3A_140 = tpu.memref_slice %arg6[%dma_start3A_132, %dma_start3A_139] : memref<4x128xi32, #tpu.memory_space<vmem>> -> memref<1x128xi32, #tpu.memory_space<vmem>>
    %dma_start3A_141 = tpu.memref_squeeze %dma_start3A_140 : memref<1x128xi32, #tpu.memory_space<vmem>> -> memref<128xi32, #tpu.memory_space<vmem>>
    %dma_start3A_142 = arith.constant 0 : i32
    %dma_start3A_143 = arith.constant 0 : i32
    %dma_start3A_144 = tpu.memref_slice %arg2[%dma_start3A_142, %dma_start3A_143] : memref<130000x128xf32, #tpu.memory_space<hbm>> -> memref<130000x128xf32, #tpu.memory_space<hbm>>
    %dma_start3A_145 = tpu.memref_slice %arg12[%dma_start3A_134] : memref<2x!tpu.dma_semaphore, #tpu.memory_space<semaphore_mem>> -> memref<1x!tpu.dma_semaphore, #tpu.memory_space<semaphore_mem>>
    %dma_start3A_146 = tpu.memref_squeeze %dma_start3A_145 : memref<1x!tpu.dma_semaphore, #tpu.memory_space<semaphore_mem>> -> memref<!tpu.dma_semaphore, #tpu.memory_space<semaphore_mem>>
    tpu.enqueue_indirect_dma source(%dma_start3A_144 : memref<130000x128xf32, #tpu.memory_space<hbm>>) target(%dma_start3A_138 : memref<128x128xf32, #tpu.memory_space<vmem>>) offsets(%dma_start3A_141 : memref<128xi32, #tpu.memory_space<vmem>>) semaphore(%dma_start3A_146 : memref<!tpu.dma_semaphore, #tpu.memory_space<semaphore_mem>>)
    %scan3A_147 = arith.constant 0 : i32
    %scan3A_148 = arith.constant 10 : i32
    %scan3A_149 = arith.addi %scan3A_147, %scan3A_148 : i32
    %scan3A_150 = arith.constant 1 : i32
    scf.for %scan3A_174 = %scan3A_147 to %scan3A_149 step %scan3A_150  : i32 {
      %mul3A_175 = arith.constant 4 : i32
      %mul3A_176 = arith.muli %scan3A_174, %mul3A_175 : i32
      %add3A_177 = arith.constant 0 : i32
      %add3A_178 = arith.addi %add3A_177, %mul3A_176 : i32
      %add3A_179 = arith.constant 0 : i32
      %add3A_180 = arith.addi %add3A_178, %add3A_179 : i32
      %dma_wait3A_181 = arith.constant 0 : i32
      %dma_wait3A_182 = arith.constant 0 : i32
      %dma_wait3A_183 = arith.constant 0 : i32
      %dma_wait3A_184 = arith.constant 0 : i32
      %dma_wait3A_185 = arith.constant 0 : i32
      %dma_wait3A_186 = tpu.memref_slice %arg8[%dma_wait3A_182, %dma_wait3A_184, %dma_wait3A_185] : memref<2x128x128xf32, #tpu.memory_space<vmem>> -> memref<1x128x128xf32, #tpu.memory_space<vmem>>
      %dma_wait3A_187 = tpu.memref_squeeze %dma_wait3A_186 : memref<1x128x128xf32, #tpu.memory_space<vmem>> -> memref<128x128xf32, #tpu.memory_space<vmem>>
      %dma_wait3A_188 = arith.constant 0 : i32
      %dma_wait3A_189 = tpu.memref_slice %arg6[%dma_wait3A_181, %dma_wait3A_188] : memref<4x128xi32, #tpu.memory_space<vmem>> -> memref<1x128xi32, #tpu.memory_space<vmem>>
      %dma_wait3A_190 = tpu.memref_squeeze %dma_wait3A_189 : memref<1x128xi32, #tpu.memory_space<vmem>> -> memref<128xi32, #tpu.memory_space<vmem>>
      %dma_wait3A_191 = arith.constant 0 : i32
      %dma_wait3A_192 = arith.constant 0 : i32
      %dma_wait3A_193 = tpu.memref_slice %arg2[%dma_wait3A_191, %dma_wait3A_192] : memref<130000x128xf32, #tpu.memory_space<hbm>> -> memref<130000x128xf32, #tpu.memory_space<hbm>>
      %dma_wait3A_194 = tpu.memref_slice %arg12[%dma_wait3A_183] : memref<2x!tpu.dma_semaphore, #tpu.memory_space<semaphore_mem>> -> memref<1x!tpu.dma_semaphore, #tpu.memory_space<semaphore_mem>>
      %dma_wait3A_195 = tpu.memref_squeeze %dma_wait3A_194 : memref<1x!tpu.dma_semaphore, #tpu.memory_space<semaphore_mem>> -> memref<!tpu.dma_semaphore, #tpu.memory_space<semaphore_mem>>
      tpu.wait_indirect_dma semaphore(%dma_wait3A_195 : memref<!tpu.dma_semaphore, #tpu.memory_space<semaphore_mem>>) src(%dma_wait3A_193 : memref<130000x128xf32, #tpu.memory_space<hbm>>) dst(%dma_wait3A_187 : memref<128x128xf32, #tpu.memory_space<vmem>>)
      %add3A_196 = arith.addi %mul3A_30, %add3A_180 : i32
      %dma_wait3A_197 = arith.constant 0 : i32
      %dma_wait3A_198 = arith.constant 0 : i32
      %dma_wait3A_199 = arith.constant 0 : i32
      %dma_wait3A_200 = tpu.memref_slice %arg7[%dma_wait3A_198, %dma_wait3A_199] : memref<4x128xi32, #tpu.memory_space<vmem>> -> memref<1x128xi32, #tpu.memory_space<vmem>>
      %dma_wait3A_201 = arith.constant 0 : i32
      %dma_wait3A_202 = tpu.memref_slice %arg4[%add3A_196, %dma_wait3A_201] : memref<1280x128xi32, #tpu.memory_space<hbm>> -> memref<1x128xi32, #tpu.memory_space<hbm>>
      %dma_wait3A_203 = tpu.memref_slice %arg11[%dma_wait3A_197] : memref<4x!tpu.dma_semaphore, #tpu.memory_space<semaphore_mem>> -> memref<1x!tpu.dma_semaphore, #tpu.memory_space<semaphore_mem>>
      %dma_wait3A_204 = tpu.memref_squeeze %dma_wait3A_203 : memref<1x!tpu.dma_semaphore, #tpu.memory_space<semaphore_mem>> -> memref<!tpu.dma_semaphore, #tpu.memory_space<semaphore_mem>>
      %dma_wait3A_205 = arith.constant 0 : i32
      %dma_wait3A_206 = arith.constant 0 : i32
      %dma_wait3A_207 = tpu.memref_slice %arg7[%dma_wait3A_205, %dma_wait3A_206] : memref<4x128xi32, #tpu.memory_space<vmem>> -> memref<1x128xi32, #tpu.memory_space<vmem>>
      %dma_wait3A_208 = arith.constant 0 : i32
      %dma_wait3A_209 = tpu.memref_slice %arg4[%add3A_196, %dma_wait3A_208] : memref<1280x128xi32, #tpu.memory_space<hbm>> -> memref<1x128xi32, #tpu.memory_space<hbm>>
      tpu.wait_dma2 semaphore(%dma_wait3A_204 : memref<!tpu.dma_semaphore, #tpu.memory_space<semaphore_mem>>) src(%dma_wait3A_209 : memref<1x128xi32, #tpu.memory_space<hbm>>) dst(%dma_wait3A_207 : memref<1x128xi32, #tpu.memory_space<vmem>>)
      %dma_start3A_210 = arith.constant 0 : i32
      %dma_start3A_211 = arith.constant 0 : i32
      %dma_start3A_212 = arith.constant 0 : i32
      %dma_start3A_213 = arith.constant 0 : i32
      %dma_start3A_214 = arith.constant 0 : i32
      %dma_start3A_215 = tpu.memref_slice %arg8[%dma_start3A_210, %dma_start3A_213, %dma_start3A_214] : memref<2x128x128xf32, #tpu.memory_space<vmem>> -> memref<1x128x128xf32, #tpu.memory_space<vmem>>
      %dma_start3A_216 = tpu.memref_squeeze %dma_start3A_215 : memref<1x128x128xf32, #tpu.memory_space<vmem>> -> memref<128x128xf32, #tpu.memory_space<vmem>>
      %dma_start3A_217 = arith.constant 0 : i32
      %dma_start3A_218 = tpu.memref_slice %arg7[%dma_start3A_211, %dma_start3A_217] : memref<4x128xi32, #tpu.memory_space<vmem>> -> memref<1x128xi32, #tpu.memory_space<vmem>>
      %dma_start3A_219 = tpu.memref_squeeze %dma_start3A_218 : memref<1x128xi32, #tpu.memory_space<vmem>> -> memref<128xi32, #tpu.memory_space<vmem>>
      %dma_start3A_220 = arith.constant 0 : i32
      %dma_start3A_221 = arith.constant 0 : i32
      %dma_start3A_222 = tpu.memref_slice %arg9[%dma_start3A_220, %dma_start3A_221] : memref<10112x128xf32, #tpu.memory_space<vmem_shared>> -> memref<10112x128xf32, #tpu.memory_space<vmem_shared>>
      %dma_start3A_223 = tpu.memref_slice %arg13[%dma_start3A_212] : memref<2x!tpu.dma_semaphore, #tpu.memory_space<semaphore_mem>> -> memref<1x!tpu.dma_semaphore, #tpu.memory_space<semaphore_mem>>
      %dma_start3A_224 = tpu.memref_squeeze %dma_start3A_223 : memref<1x!tpu.dma_semaphore, #tpu.memory_space<semaphore_mem>> -> memref<!tpu.dma_semaphore, #tpu.memory_space<semaphore_mem>>
      tpu.enqueue_indirect_dma source(%dma_start3A_216 : memref<128x128xf32, #tpu.memory_space<vmem>>) target(%dma_start3A_222 : memref<10112x128xf32, #tpu.memory_space<vmem_shared>>) offsets(%dma_start3A_219 : memref<128xi32, #tpu.memory_space<vmem>>) semaphore(%dma_start3A_224 : memref<!tpu.dma_semaphore, #tpu.memory_space<semaphore_mem>>) {add = true}
      %ge3A = arith.constant 1 : i32
      %ge3A_225 = arith.cmpi sge, %add3A_180, %ge3A : i32
      %convert_element_type3A_226 = arith.extui %ge3A_225 : i1 to i32
      %cond3A_227 = arith.constant 0 : i32
      %cond3A_228 = arith.cmpi ne, %convert_element_type3A_226, %cond3A_227 : i32
      scf.if %cond3A_228 {
        %dma_wait3A_438 = arith.constant 1 : i32
        %dma_wait3A_439 = arith.constant 3 : i32
        %dma_wait3A_440 = arith.constant 1 : i32
        %dma_wait3A_441 = arith.constant 0 : i32
        %dma_wait3A_442 = arith.constant 0 : i32
        %dma_wait3A_443 = tpu.memref_slice %arg8[%dma_wait3A_438, %dma_wait3A_441, %dma_wait3A_442] : memref<2x128x128xf32, #tpu.memory_space<vmem>> -> memref<1x128x128xf32, #tpu.memory_space<vmem>>
        %dma_wait3A_444 = tpu.memref_squeeze %dma_wait3A_443 : memref<1x128x128xf32, #tpu.memory_space<vmem>> -> memref<128x128xf32, #tpu.memory_space<vmem>>
        %dma_wait3A_445 = arith.constant 0 : i32
        %dma_wait3A_446 = tpu.memref_slice %arg7[%dma_wait3A_439, %dma_wait3A_445] : memref<4x128xi32, #tpu.memory_space<vmem>> -> memref<1x128xi32, #tpu.memory_space<vmem>>
        %dma_wait3A_447 = tpu.memref_squeeze %dma_wait3A_446 : memref<1x128xi32, #tpu.memory_space<vmem>> -> memref<128xi32, #tpu.memory_space<vmem>>
        %dma_wait3A_448 = arith.constant 0 : i32
        %dma_wait3A_449 = arith.constant 0 : i32
        %dma_wait3A_450 = tpu.memref_slice %arg9[%dma_wait3A_448, %dma_wait3A_449] : memref<10112x128xf32, #tpu.memory_space<vmem_shared>> -> memref<10112x128xf32, #tpu.memory_space<vmem_shared>>
        %dma_wait3A_451 = tpu.memref_slice %arg13[%dma_wait3A_440] : memref<2x!tpu.dma_semaphore, #tpu.memory_space<semaphore_mem>> -> memref<1x!tpu.dma_semaphore, #tpu.memory_space<semaphore_mem>>
        %dma_wait3A_452 = tpu.memref_squeeze %dma_wait3A_451 : memref<1x!tpu.dma_semaphore, #tpu.memory_space<semaphore_mem>> -> memref<!tpu.dma_semaphore, #tpu.memory_space<semaphore_mem>>
        tpu.wait_indirect_dma semaphore(%dma_wait3A_452 : memref<!tpu.dma_semaphore, #tpu.memory_space<semaphore_mem>>) src(%dma_wait3A_444 : memref<128x128xf32, #tpu.memory_space<vmem>>) dst(%dma_wait3A_450 : memref<10112x128xf32, #tpu.memory_space<vmem_shared>>)
      } else {
      }
      %add3A_229 = arith.constant 3 : i32
      %add3A_230 = arith.addi %add3A_180, %add3A_229 : i32
      %lt3A_231 = arith.constant 40 : i32
      %lt3A_232 = arith.cmpi slt, %add3A_230, %lt3A_231 : i32
      %convert_element_type3A_233 = arith.extui %lt3A_232 : i1 to i32
      %cond3A_234 = arith.constant 0 : i32
      %cond3A_235 = arith.cmpi ne, %convert_element_type3A_233, %cond3A_234 : i32
      scf.if %cond3A_235 {
        %add3A_438 = arith.addi %mul3A_30, %add3A_180 : i32
        %add3A_439 = arith.constant 3 : i32
        %add3A_440 = arith.addi %add3A_438, %add3A_439 : i32
        %dma_start3A_441 = arith.constant 3 : i32
        %dma_start3A_442 = arith.constant 3 : i32
        %dma_start3A_443 = arith.constant 0 : i32
        %dma_start3A_444 = tpu.memref_slice %arg6[%dma_start3A_442, %dma_start3A_443] : memref<4x128xi32, #tpu.memory_space<vmem>> -> memref<1x128xi32, #tpu.memory_space<vmem>>
        %dma_start3A_445 = arith.constant 0 : i32
        %dma_start3A_446 = tpu.memref_slice %arg3[%add3A_440, %dma_start3A_445] : memref<1280x128xi32, #tpu.memory_space<hbm>> -> memref<1x128xi32, #tpu.memory_space<hbm>>
        %dma_start3A_447 = tpu.memref_slice %arg10[%dma_start3A_441] : memref<4x!tpu.dma_semaphore, #tpu.memory_space<semaphore_mem>> -> memref<1x!tpu.dma_semaphore, #tpu.memory_space<semaphore_mem>>
        %dma_start3A_448 = tpu.memref_squeeze %dma_start3A_447 : memref<1x!tpu.dma_semaphore, #tpu.memory_space<semaphore_mem>> -> memref<!tpu.dma_semaphore, #tpu.memory_space<semaphore_mem>>
        %dma_start3A_449 = arith.constant 3 : i32
        %dma_start3A_450 = arith.constant 0 : i32
        %dma_start3A_451 = tpu.memref_slice %arg6[%dma_start3A_449, %dma_start3A_450] : memref<4x128xi32, #tpu.memory_space<vmem>> -> memref<1x128xi32, #tpu.memory_space<vmem>>
        %dma_start3A_452 = arith.constant 0 : i32
        %dma_start3A_453 = tpu.memref_slice %arg3[%add3A_440, %dma_start3A_452] : memref<1280x128xi32, #tpu.memory_space<hbm>> -> memref<1x128xi32, #tpu.memory_space<hbm>>
        tpu.enqueue_dma source(%dma_start3A_453 : memref<1x128xi32, #tpu.memory_space<hbm>>) target(%dma_start3A_451 : memref<1x128xi32, #tpu.memory_space<vmem>>) target_semaphore(%dma_start3A_448 : memref<!tpu.dma_semaphore, #tpu.memory_space<semaphore_mem>>)
        %add3A_454 = arith.addi %mul3A_30, %add3A_180 : i32
        %add3A_455 = arith.constant 3 : i32
        %add3A_456 = arith.addi %add3A_454, %add3A_455 : i32
        %dma_start3A_457 = arith.constant 3 : i32
        %dma_start3A_458 = arith.constant 3 : i32
        %dma_start3A_459 = arith.constant 0 : i32
        %dma_start3A_460 = tpu.memref_slice %arg7[%dma_start3A_458, %dma_start3A_459] : memref<4x128xi32, #tpu.memory_space<vmem>> -> memref<1x128xi32, #tpu.memory_space<vmem>>
        %dma_start3A_461 = arith.constant 0 : i32
        %dma_start3A_462 = tpu.memref_slice %arg4[%add3A_456, %dma_start3A_461] : memref<1280x128xi32, #tpu.memory_space<hbm>> -> memref<1x128xi32, #tpu.memory_space<hbm>>
        %dma_start3A_463 = tpu.memref_slice %arg11[%dma_start3A_457] : memref<4x!tpu.dma_semaphore, #tpu.memory_space<semaphore_mem>> -> memref<1x!tpu.dma_semaphore, #tpu.memory_space<semaphore_mem>>
        %dma_start3A_464 = tpu.memref_squeeze %dma_start3A_463 : memref<1x!tpu.dma_semaphore, #tpu.memory_space<semaphore_mem>> -> memref<!tpu.dma_semaphore, #tpu.memory_space<semaphore_mem>>
        %dma_start3A_465 = arith.constant 3 : i32
        %dma_start3A_466 = arith.constant 0 : i32
        %dma_start3A_467 = tpu.memref_slice %arg7[%dma_start3A_465, %dma_start3A_466] : memref<4x128xi32, #tpu.memory_space<vmem>> -> memref<1x128xi32, #tpu.memory_space<vmem>>
        %dma_start3A_468 = arith.constant 0 : i32
        %dma_start3A_469 = tpu.memref_slice %arg4[%add3A_456, %dma_start3A_468] : memref<1280x128xi32, #tpu.memory_space<hbm>> -> memref<1x128xi32, #tpu.memory_space<hbm>>
        tpu.enqueue_dma source(%dma_start3A_469 : memref<1x128xi32, #tpu.memory_space<hbm>>) target(%dma_start3A_467 : memref<1x128xi32, #tpu.memory_space<vmem>>) target_semaphore(%dma_start3A_464 : memref<!tpu.dma_semaphore, #tpu.memory_space<semaphore_mem>>)
      } else {
      }
      %add3A_236 = arith.constant 1 : i32
      %add3A_237 = arith.addi %add3A_180, %add3A_236 : i32
      %lt3A_238 = arith.constant 40 : i32
      %lt3A_239 = arith.cmpi slt, %add3A_237, %lt3A_238 : i32
      %convert_element_type3A_240 = arith.extui %lt3A_239 : i1 to i32
      %cond3A_241 = arith.constant 0 : i32
      %cond3A_242 = arith.cmpi ne, %convert_element_type3A_240, %cond3A_241 : i32
      scf.if %cond3A_242 {
        %add3A_438 = arith.addi %mul3A_30, %add3A_180 : i32
        %add3A_439 = arith.constant 1 : i32
        %add3A_440 = arith.addi %add3A_438, %add3A_439 : i32
        %dma_wait3A_441 = arith.constant 1 : i32
        %dma_wait3A_442 = arith.constant 1 : i32
        %dma_wait3A_443 = arith.constant 0 : i32
        %dma_wait3A_444 = tpu.memref_slice %arg6[%dma_wait3A_442, %dma_wait3A_443] : memref<4x128xi32, #tpu.memory_space<vmem>> -> memref<1x128xi32, #tpu.memory_space<vmem>>
        %dma_wait3A_445 = arith.constant 0 : i32
        %dma_wait3A_446 = tpu.memref_slice %arg3[%add3A_440, %dma_wait3A_445] : memref<1280x128xi32, #tpu.memory_space<hbm>> -> memref<1x128xi32, #tpu.memory_space<hbm>>
        %dma_wait3A_447 = tpu.memref_slice %arg10[%dma_wait3A_441] : memref<4x!tpu.dma_semaphore, #tpu.memory_space<semaphore_mem>> -> memref<1x!tpu.dma_semaphore, #tpu.memory_space<semaphore_mem>>
        %dma_wait3A_448 = tpu.memref_squeeze %dma_wait3A_447 : memref<1x!tpu.dma_semaphore, #tpu.memory_space<semaphore_mem>> -> memref<!tpu.dma_semaphore, #tpu.memory_space<semaphore_mem>>
        %dma_wait3A_449 = arith.constant 1 : i32
        %dma_wait3A_450 = arith.constant 0 : i32
        %dma_wait3A_451 = tpu.memref_slice %arg6[%dma_wait3A_449, %dma_wait3A_450] : memref<4x128xi32, #tpu.memory_space<vmem>> -> memref<1x128xi32, #tpu.memory_space<vmem>>
        %dma_wait3A_452 = arith.constant 0 : i32
        %dma_wait3A_453 = tpu.memref_slice %arg3[%add3A_440, %dma_wait3A_452] : memref<1280x128xi32, #tpu.memory_space<hbm>> -> memref<1x128xi32, #tpu.memory_space<hbm>>
        tpu.wait_dma2 semaphore(%dma_wait3A_448 : memref<!tpu.dma_semaphore, #tpu.memory_space<semaphore_mem>>) src(%dma_wait3A_453 : memref<1x128xi32, #tpu.memory_space<hbm>>) dst(%dma_wait3A_451 : memref<1x128xi32, #tpu.memory_space<vmem>>)
        %dma_start3A_454 = arith.constant 1 : i32
        %dma_start3A_455 = arith.constant 1 : i32
        %dma_start3A_456 = arith.constant 1 : i32
        %dma_start3A_457 = arith.constant 0 : i32
        %dma_start3A_458 = arith.constant 0 : i32
        %dma_start3A_459 = tpu.memref_slice %arg8[%dma_start3A_455, %dma_start3A_457, %dma_start3A_458] : memref<2x128x128xf32, #tpu.memory_space<vmem>> -> memref<1x128x128xf32, #tpu.memory_space<vmem>>
        %dma_start3A_460 = tpu.memref_squeeze %dma_start3A_459 : memref<1x128x128xf32, #tpu.memory_space<vmem>> -> memref<128x128xf32, #tpu.memory_space<vmem>>
        %dma_start3A_461 = arith.constant 0 : i32
        %dma_start3A_462 = tpu.memref_slice %arg6[%dma_start3A_454, %dma_start3A_461] : memref<4x128xi32, #tpu.memory_space<vmem>> -> memref<1x128xi32, #tpu.memory_space<vmem>>
        %dma_start3A_463 = tpu.memref_squeeze %dma_start3A_462 : memref<1x128xi32, #tpu.memory_space<vmem>> -> memref<128xi32, #tpu.memory_space<vmem>>
        %dma_start3A_464 = arith.constant 0 : i32
        %dma_start3A_465 = arith.constant 0 : i32
        %dma_start3A_466 = tpu.memref_slice %arg2[%dma_start3A_464, %dma_start3A_465] : memref<130000x128xf32, #tpu.memory_space<hbm>> -> memref<130000x128xf32, #tpu.memory_space<hbm>>
        %dma_start3A_467 = tpu.memref_slice %arg12[%dma_start3A_456] : memref<2x!tpu.dma_semaphore, #tpu.memory_space<semaphore_mem>> -> memref<1x!tpu.dma_semaphore, #tpu.memory_space<semaphore_mem>>
        %dma_start3A_468 = tpu.memref_squeeze %dma_start3A_467 : memref<1x!tpu.dma_semaphore, #tpu.memory_space<semaphore_mem>> -> memref<!tpu.dma_semaphore, #tpu.memory_space<semaphore_mem>>
        tpu.enqueue_indirect_dma source(%dma_start3A_466 : memref<130000x128xf32, #tpu.memory_space<hbm>>) target(%dma_start3A_460 : memref<128x128xf32, #tpu.memory_space<vmem>>) offsets(%dma_start3A_463 : memref<128xi32, #tpu.memory_space<vmem>>) semaphore(%dma_start3A_468 : memref<!tpu.dma_semaphore, #tpu.memory_space<semaphore_mem>>)
      } else {
      }
      %add3A_243 = arith.constant 1 : i32
      %add3A_244 = arith.addi %add3A_178, %add3A_243 : i32
      %dma_wait3A_245 = arith.constant 1 : i32
      %dma_wait3A_246 = arith.constant 1 : i32
      %dma_wait3A_247 = arith.constant 1 : i32
      %dma_wait3A_248 = arith.constant 0 : i32
      %dma_wait3A_249 = arith.constant 0 : i32
      %dma_wait3A_250 = tpu.memref_slice %arg8[%dma_wait3A_246, %dma_wait3A_248, %dma_wait3A_249] : memref<2x128x128xf32, #tpu.memory_space<vmem>> -> memref<1x128x128xf32, #tpu.memory_space<vmem>>
      %dma_wait3A_251 = tpu.memref_squeeze %dma_wait3A_250 : memref<1x128x128xf32, #tpu.memory_space<vmem>> -> memref<128x128xf32, #tpu.memory_space<vmem>>
      %dma_wait3A_252 = arith.constant 0 : i32
      %dma_wait3A_253 = tpu.memref_slice %arg6[%dma_wait3A_245, %dma_wait3A_252] : memref<4x128xi32, #tpu.memory_space<vmem>> -> memref<1x128xi32, #tpu.memory_space<vmem>>
      %dma_wait3A_254 = tpu.memref_squeeze %dma_wait3A_253 : memref<1x128xi32, #tpu.memory_space<vmem>> -> memref<128xi32, #tpu.memory_space<vmem>>
      %dma_wait3A_255 = arith.constant 0 : i32
      %dma_wait3A_256 = arith.constant 0 : i32
      %dma_wait3A_257 = tpu.memref_slice %arg2[%dma_wait3A_255, %dma_wait3A_256] : memref<130000x128xf32, #tpu.memory_space<hbm>> -> memref<130000x128xf32, #tpu.memory_space<hbm>>
      %dma_wait3A_258 = tpu.memref_slice %arg12[%dma_wait3A_247] : memref<2x!tpu.dma_semaphore, #tpu.memory_space<semaphore_mem>> -> memref<1x!tpu.dma_semaphore, #tpu.memory_space<semaphore_mem>>
      %dma_wait3A_259 = tpu.memref_squeeze %dma_wait3A_258 : memref<1x!tpu.dma_semaphore, #tpu.memory_space<semaphore_mem>> -> memref<!tpu.dma_semaphore, #tpu.memory_space<semaphore_mem>>
      tpu.wait_indirect_dma semaphore(%dma_wait3A_259 : memref<!tpu.dma_semaphore, #tpu.memory_space<semaphore_mem>>) src(%dma_wait3A_257 : memref<130000x128xf32, #tpu.memory_space<hbm>>) dst(%dma_wait3A_251 : memref<128x128xf32, #tpu.memory_space<vmem>>)
      %add3A_260 = arith.addi %mul3A_30, %add3A_244 : i32
      %dma_wait3A_261 = arith.constant 1 : i32
      %dma_wait3A_262 = arith.constant 1 : i32
      %dma_wait3A_263 = arith.constant 0 : i32
      %dma_wait3A_264 = tpu.memref_slice %arg7[%dma_wait3A_262, %dma_wait3A_263] : memref<4x128xi32, #tpu.memory_space<vmem>> -> memref<1x128xi32, #tpu.memory_space<vmem>>
      %dma_wait3A_265 = arith.constant 0 : i32
      %dma_wait3A_266 = tpu.memref_slice %arg4[%add3A_260, %dma_wait3A_265] : memref<1280x128xi32, #tpu.memory_space<hbm>> -> memref<1x128xi32, #tpu.memory_space<hbm>>
      %dma_wait3A_267 = tpu.memref_slice %arg11[%dma_wait3A_261] : memref<4x!tpu.dma_semaphore, #tpu.memory_space<semaphore_mem>> -> memref<1x!tpu.dma_semaphore, #tpu.memory_space<semaphore_mem>>
      %dma_wait3A_268 = tpu.memref_squeeze %dma_wait3A_267 : memref<1x!tpu.dma_semaphore, #tpu.memory_space<semaphore_mem>> -> memref<!tpu.dma_semaphore, #tpu.memory_space<semaphore_mem>>
      %dma_wait3A_269 = arith.constant 1 : i32
      %dma_wait3A_270 = arith.constant 0 : i32
      %dma_wait3A_271 = tpu.memref_slice %arg7[%dma_wait3A_269, %dma_wait3A_270] : memref<4x128xi32, #tpu.memory_space<vmem>> -> memref<1x128xi32, #tpu.memory_space<vmem>>
      %dma_wait3A_272 = arith.constant 0 : i32
      %dma_wait3A_273 = tpu.memref_slice %arg4[%add3A_260, %dma_wait3A_272] : memref<1280x128xi32, #tpu.memory_space<hbm>> -> memref<1x128xi32, #tpu.memory_space<hbm>>
      tpu.wait_dma2 semaphore(%dma_wait3A_268 : memref<!tpu.dma_semaphore, #tpu.memory_space<semaphore_mem>>) src(%dma_wait3A_273 : memref<1x128xi32, #tpu.memory_space<hbm>>) dst(%dma_wait3A_271 : memref<1x128xi32, #tpu.memory_space<vmem>>)
      %dma_start3A_274 = arith.constant 1 : i32
      %dma_start3A_275 = arith.constant 1 : i32
      %dma_start3A_276 = arith.constant 1 : i32
      %dma_start3A_277 = arith.constant 0 : i32
      %dma_start3A_278 = arith.constant 0 : i32
      %dma_start3A_279 = tpu.memref_slice %arg8[%dma_start3A_274, %dma_start3A_277, %dma_start3A_278] : memref<2x128x128xf32, #tpu.memory_space<vmem>> -> memref<1x128x128xf32, #tpu.memory_space<vmem>>
      %dma_start3A_280 = tpu.memref_squeeze %dma_start3A_279 : memref<1x128x128xf32, #tpu.memory_space<vmem>> -> memref<128x128xf32, #tpu.memory_space<vmem>>
      %dma_start3A_281 = arith.constant 0 : i32
      %dma_start3A_282 = tpu.memref_slice %arg7[%dma_start3A_275, %dma_start3A_281] : memref<4x128xi32, #tpu.memory_space<vmem>> -> memref<1x128xi32, #tpu.memory_space<vmem>>
      %dma_start3A_283 = tpu.memref_squeeze %dma_start3A_282 : memref<1x128xi32, #tpu.memory_space<vmem>> -> memref<128xi32, #tpu.memory_space<vmem>>
      %dma_start3A_284 = arith.constant 0 : i32
      %dma_start3A_285 = arith.constant 0 : i32
      %dma_start3A_286 = tpu.memref_slice %arg9[%dma_start3A_284, %dma_start3A_285] : memref<10112x128xf32, #tpu.memory_space<vmem_shared>> -> memref<10112x128xf32, #tpu.memory_space<vmem_shared>>
      %dma_start3A_287 = tpu.memref_slice %arg13[%dma_start3A_276] : memref<2x!tpu.dma_semaphore, #tpu.memory_space<semaphore_mem>> -> memref<1x!tpu.dma_semaphore, #tpu.memory_space<semaphore_mem>>
      %dma_start3A_288 = tpu.memref_squeeze %dma_start3A_287 : memref<1x!tpu.dma_semaphore, #tpu.memory_space<semaphore_mem>> -> memref<!tpu.dma_semaphore, #tpu.memory_space<semaphore_mem>>
      tpu.enqueue_indirect_dma source(%dma_start3A_280 : memref<128x128xf32, #tpu.memory_space<vmem>>) target(%dma_start3A_286 : memref<10112x128xf32, #tpu.memory_space<vmem_shared>>) offsets(%dma_start3A_283 : memref<128xi32, #tpu.memory_space<vmem>>) semaphore(%dma_start3A_288 : memref<!tpu.dma_semaphore, #tpu.memory_space<semaphore_mem>>) {add = true}
      %ge3A_289 = arith.constant 1 : i32
      %ge3A_290 = arith.cmpi sge, %add3A_244, %ge3A_289 : i32
      %convert_element_type3A_291 = arith.extui %ge3A_290 : i1 to i32
      %cond3A_292 = arith.constant 0 : i32
      %cond3A_293 = arith.cmpi ne, %convert_element_type3A_291, %cond3A_292 : i32
      scf.if %cond3A_293 {
        %dma_wait3A_438 = arith.constant 0 : i32
        %dma_wait3A_439 = arith.constant 0 : i32
        %dma_wait3A_440 = arith.constant 0 : i32
        %dma_wait3A_441 = arith.constant 0 : i32
        %dma_wait3A_442 = arith.constant 0 : i32
        %dma_wait3A_443 = tpu.memref_slice %arg8[%dma_wait3A_438, %dma_wait3A_441, %dma_wait3A_442] : memref<2x128x128xf32, #tpu.memory_space<vmem>> -> memref<1x128x128xf32, #tpu.memory_space<vmem>>
        %dma_wait3A_444 = tpu.memref_squeeze %dma_wait3A_443 : memref<1x128x128xf32, #tpu.memory_space<vmem>> -> memref<128x128xf32, #tpu.memory_space<vmem>>
        %dma_wait3A_445 = arith.constant 0 : i32
        %dma_wait3A_446 = tpu.memref_slice %arg7[%dma_wait3A_439, %dma_wait3A_445] : memref<4x128xi32, #tpu.memory_space<vmem>> -> memref<1x128xi32, #tpu.memory_space<vmem>>
        %dma_wait3A_447 = tpu.memref_squeeze %dma_wait3A_446 : memref<1x128xi32, #tpu.memory_space<vmem>> -> memref<128xi32, #tpu.memory_space<vmem>>
        %dma_wait3A_448 = arith.constant 0 : i32
        %dma_wait3A_449 = arith.constant 0 : i32
        %dma_wait3A_450 = tpu.memref_slice %arg9[%dma_wait3A_448, %dma_wait3A_449] : memref<10112x128xf32, #tpu.memory_space<vmem_shared>> -> memref<10112x128xf32, #tpu.memory_space<vmem_shared>>
        %dma_wait3A_451 = tpu.memref_slice %arg13[%dma_wait3A_440] : memref<2x!tpu.dma_semaphore, #tpu.memory_space<semaphore_mem>> -> memref<1x!tpu.dma_semaphore, #tpu.memory_space<semaphore_mem>>
        %dma_wait3A_452 = tpu.memref_squeeze %dma_wait3A_451 : memref<1x!tpu.dma_semaphore, #tpu.memory_space<semaphore_mem>> -> memref<!tpu.dma_semaphore, #tpu.memory_space<semaphore_mem>>
        tpu.wait_indirect_dma semaphore(%dma_wait3A_452 : memref<!tpu.dma_semaphore, #tpu.memory_space<semaphore_mem>>) src(%dma_wait3A_444 : memref<128x128xf32, #tpu.memory_space<vmem>>) dst(%dma_wait3A_450 : memref<10112x128xf32, #tpu.memory_space<vmem_shared>>)
      } else {
      }
      %add3A_294 = arith.constant 3 : i32
      %add3A_295 = arith.addi %add3A_244, %add3A_294 : i32
      %lt3A_296 = arith.constant 40 : i32
      %lt3A_297 = arith.cmpi slt, %add3A_295, %lt3A_296 : i32
      %convert_element_type3A_298 = arith.extui %lt3A_297 : i1 to i32
      %cond3A_299 = arith.constant 0 : i32
      %cond3A_300 = arith.cmpi ne, %convert_element_type3A_298, %cond3A_299 : i32
      scf.if %cond3A_300 {
        %add3A_438 = arith.addi %mul3A_30, %add3A_244 : i32
        %add3A_439 = arith.constant 3 : i32
        %add3A_440 = arith.addi %add3A_438, %add3A_439 : i32
        %dma_start3A_441 = arith.constant 0 : i32
        %dma_start3A_442 = arith.constant 0 : i32
        %dma_start3A_443 = arith.constant 0 : i32
        %dma_start3A_444 = tpu.memref_slice %arg6[%dma_start3A_442, %dma_start3A_443] : memref<4x128xi32, #tpu.memory_space<vmem>> -> memref<1x128xi32, #tpu.memory_space<vmem>>
        %dma_start3A_445 = arith.constant 0 : i32
        %dma_start3A_446 = tpu.memref_slice %arg3[%add3A_440, %dma_start3A_445] : memref<1280x128xi32, #tpu.memory_space<hbm>> -> memref<1x128xi32, #tpu.memory_space<hbm>>
        %dma_start3A_447 = tpu.memref_slice %arg10[%dma_start3A_441] : memref<4x!tpu.dma_semaphore, #tpu.memory_space<semaphore_mem>> -> memref<1x!tpu.dma_semaphore, #tpu.memory_space<semaphore_mem>>
        %dma_start3A_448 = tpu.memref_squeeze %dma_start3A_447 : memref<1x!tpu.dma_semaphore, #tpu.memory_space<semaphore_mem>> -> memref<!tpu.dma_semaphore, #tpu.memory_space<semaphore_mem>>
        %dma_start3A_449 = arith.constant 0 : i32
        %dma_start3A_450 = arith.constant 0 : i32
        %dma_start3A_451 = tpu.memref_slice %arg6[%dma_start3A_449, %dma_start3A_450] : memref<4x128xi32, #tpu.memory_space<vmem>> -> memref<1x128xi32, #tpu.memory_space<vmem>>
        %dma_start3A_452 = arith.constant 0 : i32
        %dma_start3A_453 = tpu.memref_slice %arg3[%add3A_440, %dma_start3A_452] : memref<1280x128xi32, #tpu.memory_space<hbm>> -> memref<1x128xi32, #tpu.memory_space<hbm>>
        tpu.enqueue_dma source(%dma_start3A_453 : memref<1x128xi32, #tpu.memory_space<hbm>>) target(%dma_start3A_451 : memref<1x128xi32, #tpu.memory_space<vmem>>) target_semaphore(%dma_start3A_448 : memref<!tpu.dma_semaphore, #tpu.memory_space<semaphore_mem>>)
        %add3A_454 = arith.addi %mul3A_30, %add3A_244 : i32
        %add3A_455 = arith.constant 3 : i32
        %add3A_456 = arith.addi %add3A_454, %add3A_455 : i32
        %dma_start3A_457 = arith.constant 0 : i32
        %dma_start3A_458 = arith.constant 0 : i32
        %dma_start3A_459 = arith.constant 0 : i32
        %dma_start3A_460 = tpu.memref_slice %arg7[%dma_start3A_458, %dma_start3A_459] : memref<4x128xi32, #tpu.memory_space<vmem>> -> memref<1x128xi32, #tpu.memory_space<vmem>>
        %dma_start3A_461 = arith.constant 0 : i32
        %dma_start3A_462 = tpu.memref_slice %arg4[%add3A_456, %dma_start3A_461] : memref<1280x128xi32, #tpu.memory_space<hbm>> -> memref<1x128xi32, #tpu.memory_space<hbm>>
        %dma_start3A_463 = tpu.memref_slice %arg11[%dma_start3A_457] : memref<4x!tpu.dma_semaphore, #tpu.memory_space<semaphore_mem>> -> memref<1x!tpu.dma_semaphore, #tpu.memory_space<semaphore_mem>>
        %dma_start3A_464 = tpu.memref_squeeze %dma_start3A_463 : memref<1x!tpu.dma_semaphore, #tpu.memory_space<semaphore_mem>> -> memref<!tpu.dma_semaphore, #tpu.memory_space<semaphore_mem>>
        %dma_start3A_465 = arith.constant 0 : i32
        %dma_start3A_466 = arith.constant 0 : i32
        %dma_start3A_467 = tpu.memref_slice %arg7[%dma_start3A_465, %dma_start3A_466] : memref<4x128xi32, #tpu.memory_space<vmem>> -> memref<1x128xi32, #tpu.memory_space<vmem>>
        %dma_start3A_468 = arith.constant 0 : i32
        %dma_start3A_469 = tpu.memref_slice %arg4[%add3A_456, %dma_start3A_468] : memref<1280x128xi32, #tpu.memory_space<hbm>> -> memref<1x128xi32, #tpu.memory_space<hbm>>
        tpu.enqueue_dma source(%dma_start3A_469 : memref<1x128xi32, #tpu.memory_space<hbm>>) target(%dma_start3A_467 : memref<1x128xi32, #tpu.memory_space<vmem>>) target_semaphore(%dma_start3A_464 : memref<!tpu.dma_semaphore, #tpu.memory_space<semaphore_mem>>)
      } else {
      }
      %add3A_301 = arith.constant 1 : i32
      %add3A_302 = arith.addi %add3A_244, %add3A_301 : i32
      %lt3A_303 = arith.constant 40 : i32
      %lt3A_304 = arith.cmpi slt, %add3A_302, %lt3A_303 : i32
      %convert_element_type3A_305 = arith.extui %lt3A_304 : i1 to i32
      %cond3A_306 = arith.constant 0 : i32
      %cond3A_307 = arith.cmpi ne, %convert_element_type3A_305, %cond3A_306 : i32
      scf.if %cond3A_307 {
        %add3A_438 = arith.addi %mul3A_30, %add3A_244 : i32
        %add3A_439 = arith.constant 1 : i32
        %add3A_440 = arith.addi %add3A_438, %add3A_439 : i32
        %dma_wait3A_441 = arith.constant 2 : i32
        %dma_wait3A_442 = arith.constant 2 : i32
        %dma_wait3A_443 = arith.constant 0 : i32
        %dma_wait3A_444 = tpu.memref_slice %arg6[%dma_wait3A_442, %dma_wait3A_443] : memref<4x128xi32, #tpu.memory_space<vmem>> -> memref<1x128xi32, #tpu.memory_space<vmem>>
        %dma_wait3A_445 = arith.constant 0 : i32
        %dma_wait3A_446 = tpu.memref_slice %arg3[%add3A_440, %dma_wait3A_445] : memref<1280x128xi32, #tpu.memory_space<hbm>> -> memref<1x128xi32, #tpu.memory_space<hbm>>
        %dma_wait3A_447 = tpu.memref_slice %arg10[%dma_wait3A_441] : memref<4x!tpu.dma_semaphore, #tpu.memory_space<semaphore_mem>> -> memref<1x!tpu.dma_semaphore, #tpu.memory_space<semaphore_mem>>
        %dma_wait3A_448 = tpu.memref_squeeze %dma_wait3A_447 : memref<1x!tpu.dma_semaphore, #tpu.memory_space<semaphore_mem>> -> memref<!tpu.dma_semaphore, #tpu.memory_space<semaphore_mem>>
        %dma_wait3A_449 = arith.constant 2 : i32
        %dma_wait3A_450 = arith.constant 0 : i32
        %dma_wait3A_451 = tpu.memref_slice %arg6[%dma_wait3A_449, %dma_wait3A_450] : memref<4x128xi32, #tpu.memory_space<vmem>> -> memref<1x128xi32, #tpu.memory_space<vmem>>
        %dma_wait3A_452 = arith.constant 0 : i32
        %dma_wait3A_453 = tpu.memref_slice %arg3[%add3A_440, %dma_wait3A_452] : memref<1280x128xi32, #tpu.memory_space<hbm>> -> memref<1x128xi32, #tpu.memory_space<hbm>>
        tpu.wait_dma2 semaphore(%dma_wait3A_448 : memref<!tpu.dma_semaphore, #tpu.memory_space<semaphore_mem>>) src(%dma_wait3A_453 : memref<1x128xi32, #tpu.memory_space<hbm>>) dst(%dma_wait3A_451 : memref<1x128xi32, #tpu.memory_space<vmem>>)
        %dma_start3A_454 = arith.constant 2 : i32
        %dma_start3A_455 = arith.constant 0 : i32
        %dma_start3A_456 = arith.constant 0 : i32
        %dma_start3A_457 = arith.constant 0 : i32
        %dma_start3A_458 = arith.constant 0 : i32
        %dma_start3A_459 = tpu.memref_slice %arg8[%dma_start3A_455, %dma_start3A_457, %dma_start3A_458] : memref<2x128x128xf32, #tpu.memory_space<vmem>> -> memref<1x128x128xf32, #tpu.memory_space<vmem>>
        %dma_start3A_460 = tpu.memref_squeeze %dma_start3A_459 : memref<1x128x128xf32, #tpu.memory_space<vmem>> -> memref<128x128xf32, #tpu.memory_space<vmem>>
        %dma_start3A_461 = arith.constant 0 : i32
        %dma_start3A_462 = tpu.memref_slice %arg6[%dma_start3A_454, %dma_start3A_461] : memref<4x128xi32, #tpu.memory_space<vmem>> -> memref<1x128xi32, #tpu.memory_space<vmem>>
        %dma_start3A_463 = tpu.memref_squeeze %dma_start3A_462 : memref<1x128xi32, #tpu.memory_space<vmem>> -> memref<128xi32, #tpu.memory_space<vmem>>
        %dma_start3A_464 = arith.constant 0 : i32
        %dma_start3A_465 = arith.constant 0 : i32
        %dma_start3A_466 = tpu.memref_slice %arg2[%dma_start3A_464, %dma_start3A_465] : memref<130000x128xf32, #tpu.memory_space<hbm>> -> memref<130000x128xf32, #tpu.memory_space<hbm>>
        %dma_start3A_467 = tpu.memref_slice %arg12[%dma_start3A_456] : memref<2x!tpu.dma_semaphore, #tpu.memory_space<semaphore_mem>> -> memref<1x!tpu.dma_semaphore, #tpu.memory_space<semaphore_mem>>
        %dma_start3A_468 = tpu.memref_squeeze %dma_start3A_467 : memref<1x!tpu.dma_semaphore, #tpu.memory_space<semaphore_mem>> -> memref<!tpu.dma_semaphore, #tpu.memory_space<semaphore_mem>>
        tpu.enqueue_indirect_dma source(%dma_start3A_466 : memref<130000x128xf32, #tpu.memory_space<hbm>>) target(%dma_start3A_460 : memref<128x128xf32, #tpu.memory_space<vmem>>) offsets(%dma_start3A_463 : memref<128xi32, #tpu.memory_space<vmem>>) semaphore(%dma_start3A_468 : memref<!tpu.dma_semaphore, #tpu.memory_space<semaphore_mem>>)
      } else {
      }
      %add3A_308 = arith.constant 2 : i32
      %add3A_309 = arith.addi %add3A_178, %add3A_308 : i32
      %dma_wait3A_310 = arith.constant 2 : i32
      %dma_wait3A_311 = arith.constant 0 : i32
      %dma_wait3A_312 = arith.constant 0 : i32
      %dma_wait3A_313 = arith.constant 0 : i32
      %dma_wait3A_314 = arith.constant 0 : i32
      %dma_wait3A_315 = tpu.memref_slice %arg8[%dma_wait3A_311, %dma_wait3A_313, %dma_wait3A_314] : memref<2x128x128xf32, #tpu.memory_space<vmem>> -> memref<1x128x128xf32, #tpu.memory_space<vmem>>
      %dma_wait3A_316 = tpu.memref_squeeze %dma_wait3A_315 : memref<1x128x128xf32, #tpu.memory_space<vmem>> -> memref<128x128xf32, #tpu.memory_space<vmem>>
      %dma_wait3A_317 = arith.constant 0 : i32
      %dma_wait3A_318 = tpu.memref_slice %arg6[%dma_wait3A_310, %dma_wait3A_317] : memref<4x128xi32, #tpu.memory_space<vmem>> -> memref<1x128xi32, #tpu.memory_space<vmem>>
      %dma_wait3A_319 = tpu.memref_squeeze %dma_wait3A_318 : memref<1x128xi32, #tpu.memory_space<vmem>> -> memref<128xi32, #tpu.memory_space<vmem>>
      %dma_wait3A_320 = arith.constant 0 : i32
      %dma_wait3A_321 = arith.constant 0 : i32
      %dma_wait3A_322 = tpu.memref_slice %arg2[%dma_wait3A_320, %dma_wait3A_321] : memref<130000x128xf32, #tpu.memory_space<hbm>> -> memref<130000x128xf32, #tpu.memory_space<hbm>>
      %dma_wait3A_323 = tpu.memref_slice %arg12[%dma_wait3A_312] : memref<2x!tpu.dma_semaphore, #tpu.memory_space<semaphore_mem>> -> memref<1x!tpu.dma_semaphore, #tpu.memory_space<semaphore_mem>>
      %dma_wait3A_324 = tpu.memref_squeeze %dma_wait3A_323 : memref<1x!tpu.dma_semaphore, #tpu.memory_space<semaphore_mem>> -> memref<!tpu.dma_semaphore, #tpu.memory_space<semaphore_mem>>
      tpu.wait_indirect_dma semaphore(%dma_wait3A_324 : memref<!tpu.dma_semaphore, #tpu.memory_space<semaphore_mem>>) src(%dma_wait3A_322 : memref<130000x128xf32, #tpu.memory_space<hbm>>) dst(%dma_wait3A_316 : memref<128x128xf32, #tpu.memory_space<vmem>>)
      %add3A_325 = arith.addi %mul3A_30, %add3A_309 : i32
      %dma_wait3A_326 = arith.constant 2 : i32
      %dma_wait3A_327 = arith.constant 2 : i32
      %dma_wait3A_328 = arith.constant 0 : i32
      %dma_wait3A_329 = tpu.memref_slice %arg7[%dma_wait3A_327, %dma_wait3A_328] : memref<4x128xi32, #tpu.memory_space<vmem>> -> memref<1x128xi32, #tpu.memory_space<vmem>>
      %dma_wait3A_330 = arith.constant 0 : i32
      %dma_wait3A_331 = tpu.memref_slice %arg4[%add3A_325, %dma_wait3A_330] : memref<1280x128xi32, #tpu.memory_space<hbm>> -> memref<1x128xi32, #tpu.memory_space<hbm>>
      %dma_wait3A_332 = tpu.memref_slice %arg11[%dma_wait3A_326] : memref<4x!tpu.dma_semaphore, #tpu.memory_space<semaphore_mem>> -> memref<1x!tpu.dma_semaphore, #tpu.memory_space<semaphore_mem>>
      %dma_wait3A_333 = tpu.memref_squeeze %dma_wait3A_332 : memref<1x!tpu.dma_semaphore, #tpu.memory_space<semaphore_mem>> -> memref<!tpu.dma_semaphore, #tpu.memory_space<semaphore_mem>>
      %dma_wait3A_334 = arith.constant 2 : i32
      %dma_wait3A_335 = arith.constant 0 : i32
      %dma_wait3A_336 = tpu.memref_slice %arg7[%dma_wait3A_334, %dma_wait3A_335] : memref<4x128xi32, #tpu.memory_space<vmem>> -> memref<1x128xi32, #tpu.memory_space<vmem>>
      %dma_wait3A_337 = arith.constant 0 : i32
      %dma_wait3A_338 = tpu.memref_slice %arg4[%add3A_325, %dma_wait3A_337] : memref<1280x128xi32, #tpu.memory_space<hbm>> -> memref<1x128xi32, #tpu.memory_space<hbm>>
      tpu.wait_dma2 semaphore(%dma_wait3A_333 : memref<!tpu.dma_semaphore, #tpu.memory_space<semaphore_mem>>) src(%dma_wait3A_338 : memref<1x128xi32, #tpu.memory_space<hbm>>) dst(%dma_wait3A_336 : memref<1x128xi32, #tpu.memory_space<vmem>>)
      %dma_start3A_339 = arith.constant 0 : i32
      %dma_start3A_340 = arith.constant 2 : i32
      %dma_start3A_341 = arith.constant 0 : i32
      %dma_start3A_342 = arith.constant 0 : i32
      %dma_start3A_343 = arith.constant 0 : i32
      %dma_start3A_344 = tpu.memref_slice %arg8[%dma_start3A_339, %dma_start3A_342, %dma_start3A_343] : memref<2x128x128xf32, #tpu.memory_space<vmem>> -> memref<1x128x128xf32, #tpu.memory_space<vmem>>
      %dma_start3A_345 = tpu.memref_squeeze %dma_start3A_344 : memref<1x128x128xf32, #tpu.memory_space<vmem>> -> memref<128x128xf32, #tpu.memory_space<vmem>>
      %dma_start3A_346 = arith.constant 0 : i32
      %dma_start3A_347 = tpu.memref_slice %arg7[%dma_start3A_340, %dma_start3A_346] : memref<4x128xi32, #tpu.memory_space<vmem>> -> memref<1x128xi32, #tpu.memory_space<vmem>>
      %dma_start3A_348 = tpu.memref_squeeze %dma_start3A_347 : memref<1x128xi32, #tpu.memory_space<vmem>> -> memref<128xi32, #tpu.memory_space<vmem>>
      %dma_start3A_349 = arith.constant 0 : i32
      %dma_start3A_350 = arith.constant 0 : i32
      %dma_start3A_351 = tpu.memref_slice %arg9[%dma_start3A_349, %dma_start3A_350] : memref<10112x128xf32, #tpu.memory_space<vmem_shared>> -> memref<10112x128xf32, #tpu.memory_space<vmem_shared>>
      %dma_start3A_352 = tpu.memref_slice %arg13[%dma_start3A_341] : memref<2x!tpu.dma_semaphore, #tpu.memory_space<semaphore_mem>> -> memref<1x!tpu.dma_semaphore, #tpu.memory_space<semaphore_mem>>
      %dma_start3A_353 = tpu.memref_squeeze %dma_start3A_352 : memref<1x!tpu.dma_semaphore, #tpu.memory_space<semaphore_mem>> -> memref<!tpu.dma_semaphore, #tpu.memory_space<semaphore_mem>>
      tpu.enqueue_indirect_dma source(%dma_start3A_345 : memref<128x128xf32, #tpu.memory_space<vmem>>) target(%dma_start3A_351 : memref<10112x128xf32, #tpu.memory_space<vmem_shared>>) offsets(%dma_start3A_348 : memref<128xi32, #tpu.memory_space<vmem>>) semaphore(%dma_start3A_353 : memref<!tpu.dma_semaphore, #tpu.memory_space<semaphore_mem>>) {add = true}
      %ge3A_354 = arith.constant 1 : i32
      %ge3A_355 = arith.cmpi sge, %add3A_309, %ge3A_354 : i32
      %convert_element_type3A_356 = arith.extui %ge3A_355 : i1 to i32
      %cond3A_357 = arith.constant 0 : i32
      %cond3A_358 = arith.cmpi ne, %convert_element_type3A_356, %cond3A_357 : i32
      scf.if %cond3A_358 {
        %dma_wait3A_438 = arith.constant 1 : i32
        %dma_wait3A_439 = arith.constant 1 : i32
        %dma_wait3A_440 = arith.constant 1 : i32
        %dma_wait3A_441 = arith.constant 0 : i32
        %dma_wait3A_442 = arith.constant 0 : i32
        %dma_wait3A_443 = tpu.memref_slice %arg8[%dma_wait3A_438, %dma_wait3A_441, %dma_wait3A_442] : memref<2x128x128xf32, #tpu.memory_space<vmem>> -> memref<1x128x128xf32, #tpu.memory_space<vmem>>
        %dma_wait3A_444 = tpu.memref_squeeze %dma_wait3A_443 : memref<1x128x128xf32, #tpu.memory_space<vmem>> -> memref<128x128xf32, #tpu.memory_space<vmem>>
        %dma_wait3A_445 = arith.constant 0 : i32
        %dma_wait3A_446 = tpu.memref_slice %arg7[%dma_wait3A_439, %dma_wait3A_445] : memref<4x128xi32, #tpu.memory_space<vmem>> -> memref<1x128xi32, #tpu.memory_space<vmem>>
        %dma_wait3A_447 = tpu.memref_squeeze %dma_wait3A_446 : memref<1x128xi32, #tpu.memory_space<vmem>> -> memref<128xi32, #tpu.memory_space<vmem>>
        %dma_wait3A_448 = arith.constant 0 : i32
        %dma_wait3A_449 = arith.constant 0 : i32
        %dma_wait3A_450 = tpu.memref_slice %arg9[%dma_wait3A_448, %dma_wait3A_449] : memref<10112x128xf32, #tpu.memory_space<vmem_shared>> -> memref<10112x128xf32, #tpu.memory_space<vmem_shared>>
        %dma_wait3A_451 = tpu.memref_slice %arg13[%dma_wait3A_440] : memref<2x!tpu.dma_semaphore, #tpu.memory_space<semaphore_mem>> -> memref<1x!tpu.dma_semaphore, #tpu.memory_space<semaphore_mem>>
        %dma_wait3A_452 = tpu.memref_squeeze %dma_wait3A_451 : memref<1x!tpu.dma_semaphore, #tpu.memory_space<semaphore_mem>> -> memref<!tpu.dma_semaphore, #tpu.memory_space<semaphore_mem>>
        tpu.wait_indirect_dma semaphore(%dma_wait3A_452 : memref<!tpu.dma_semaphore, #tpu.memory_space<semaphore_mem>>) src(%dma_wait3A_444 : memref<128x128xf32, #tpu.memory_space<vmem>>) dst(%dma_wait3A_450 : memref<10112x128xf32, #tpu.memory_space<vmem_shared>>)
      } else {
      }
      %add3A_359 = arith.constant 3 : i32
      %add3A_360 = arith.addi %add3A_309, %add3A_359 : i32
      %lt3A_361 = arith.constant 40 : i32
      %lt3A_362 = arith.cmpi slt, %add3A_360, %lt3A_361 : i32
      %convert_element_type3A_363 = arith.extui %lt3A_362 : i1 to i32
      %cond3A_364 = arith.constant 0 : i32
      %cond3A_365 = arith.cmpi ne, %convert_element_type3A_363, %cond3A_364 : i32
      scf.if %cond3A_365 {
        %add3A_438 = arith.addi %mul3A_30, %add3A_309 : i32
        %add3A_439 = arith.constant 3 : i32
        %add3A_440 = arith.addi %add3A_438, %add3A_439 : i32
        %dma_start3A_441 = arith.constant 1 : i32
        %dma_start3A_442 = arith.constant 1 : i32
        %dma_start3A_443 = arith.constant 0 : i32
        %dma_start3A_444 = tpu.memref_slice %arg6[%dma_start3A_442, %dma_start3A_443] : memref<4x128xi32, #tpu.memory_space<vmem>> -> memref<1x128xi32, #tpu.memory_space<vmem>>
        %dma_start3A_445 = arith.constant 0 : i32
        %dma_start3A_446 = tpu.memref_slice %arg3[%add3A_440, %dma_start3A_445] : memref<1280x128xi32, #tpu.memory_space<hbm>> -> memref<1x128xi32, #tpu.memory_space<hbm>>
        %dma_start3A_447 = tpu.memref_slice %arg10[%dma_start3A_441] : memref<4x!tpu.dma_semaphore, #tpu.memory_space<semaphore_mem>> -> memref<1x!tpu.dma_semaphore, #tpu.memory_space<semaphore_mem>>
        %dma_start3A_448 = tpu.memref_squeeze %dma_start3A_447 : memref<1x!tpu.dma_semaphore, #tpu.memory_space<semaphore_mem>> -> memref<!tpu.dma_semaphore, #tpu.memory_space<semaphore_mem>>
        %dma_start3A_449 = arith.constant 1 : i32
        %dma_start3A_450 = arith.constant 0 : i32
        %dma_start3A_451 = tpu.memref_slice %arg6[%dma_start3A_449, %dma_start3A_450] : memref<4x128xi32, #tpu.memory_space<vmem>> -> memref<1x128xi32, #tpu.memory_space<vmem>>
        %dma_start3A_452 = arith.constant 0 : i32
        %dma_start3A_453 = tpu.memref_slice %arg3[%add3A_440, %dma_start3A_452] : memref<1280x128xi32, #tpu.memory_space<hbm>> -> memref<1x128xi32, #tpu.memory_space<hbm>>
        tpu.enqueue_dma source(%dma_start3A_453 : memref<1x128xi32, #tpu.memory_space<hbm>>) target(%dma_start3A_451 : memref<1x128xi32, #tpu.memory_space<vmem>>) target_semaphore(%dma_start3A_448 : memref<!tpu.dma_semaphore, #tpu.memory_space<semaphore_mem>>)
        %add3A_454 = arith.addi %mul3A_30, %add3A_309 : i32
        %add3A_455 = arith.constant 3 : i32
        %add3A_456 = arith.addi %add3A_454, %add3A_455 : i32
        %dma_start3A_457 = arith.constant 1 : i32
        %dma_start3A_458 = arith.constant 1 : i32
        %dma_start3A_459 = arith.constant 0 : i32
        %dma_start3A_460 = tpu.memref_slice %arg7[%dma_start3A_458, %dma_start3A_459] : memref<4x128xi32, #tpu.memory_space<vmem>> -> memref<1x128xi32, #tpu.memory_space<vmem>>
        %dma_start3A_461 = arith.constant 0 : i32
        %dma_start3A_462 = tpu.memref_slice %arg4[%add3A_456, %dma_start3A_461] : memref<1280x128xi32, #tpu.memory_space<hbm>> -> memref<1x128xi32, #tpu.memory_space<hbm>>
        %dma_start3A_463 = tpu.memref_slice %arg11[%dma_start3A_457] : memref<4x!tpu.dma_semaphore, #tpu.memory_space<semaphore_mem>> -> memref<1x!tpu.dma_semaphore, #tpu.memory_space<semaphore_mem>>
        %dma_start3A_464 = tpu.memref_squeeze %dma_start3A_463 : memref<1x!tpu.dma_semaphore, #tpu.memory_space<semaphore_mem>> -> memref<!tpu.dma_semaphore, #tpu.memory_space<semaphore_mem>>
        %dma_start3A_465 = arith.constant 1 : i32
        %dma_start3A_466 = arith.constant 0 : i32
        %dma_start3A_467 = tpu.memref_slice %arg7[%dma_start3A_465, %dma_start3A_466] : memref<4x128xi32, #tpu.memory_space<vmem>> -> memref<1x128xi32, #tpu.memory_space<vmem>>
        %dma_start3A_468 = arith.constant 0 : i32
        %dma_start3A_469 = tpu.memref_slice %arg4[%add3A_456, %dma_start3A_468] : memref<1280x128xi32, #tpu.memory_space<hbm>> -> memref<1x128xi32, #tpu.memory_space<hbm>>
        tpu.enqueue_dma source(%dma_start3A_469 : memref<1x128xi32, #tpu.memory_space<hbm>>) target(%dma_start3A_467 : memref<1x128xi32, #tpu.memory_space<vmem>>) target_semaphore(%dma_start3A_464 : memref<!tpu.dma_semaphore, #tpu.memory_space<semaphore_mem>>)
      } else {
      }
      %add3A_366 = arith.constant 1 : i32
      %add3A_367 = arith.addi %add3A_309, %add3A_366 : i32
      %lt3A_368 = arith.constant 40 : i32
      %lt3A_369 = arith.cmpi slt, %add3A_367, %lt3A_368 : i32
      %convert_element_type3A_370 = arith.extui %lt3A_369 : i1 to i32
      %cond3A_371 = arith.constant 0 : i32
      %cond3A_372 = arith.cmpi ne, %convert_element_type3A_370, %cond3A_371 : i32
      scf.if %cond3A_372 {
        %add3A_438 = arith.addi %mul3A_30, %add3A_309 : i32
        %add3A_439 = arith.constant 1 : i32
        %add3A_440 = arith.addi %add3A_438, %add3A_439 : i32
        %dma_wait3A_441 = arith.constant 3 : i32
        %dma_wait3A_442 = arith.constant 3 : i32
        %dma_wait3A_443 = arith.constant 0 : i32
        %dma_wait3A_444 = tpu.memref_slice %arg6[%dma_wait3A_442, %dma_wait3A_443] : memref<4x128xi32, #tpu.memory_space<vmem>> -> memref<1x128xi32, #tpu.memory_space<vmem>>
        %dma_wait3A_445 = arith.constant 0 : i32
        %dma_wait3A_446 = tpu.memref_slice %arg3[%add3A_440, %dma_wait3A_445] : memref<1280x128xi32, #tpu.memory_space<hbm>> -> memref<1x128xi32, #tpu.memory_space<hbm>>
        %dma_wait3A_447 = tpu.memref_slice %arg10[%dma_wait3A_441] : memref<4x!tpu.dma_semaphore, #tpu.memory_space<semaphore_mem>> -> memref<1x!tpu.dma_semaphore, #tpu.memory_space<semaphore_mem>>
        %dma_wait3A_448 = tpu.memref_squeeze %dma_wait3A_447 : memref<1x!tpu.dma_semaphore, #tpu.memory_space<semaphore_mem>> -> memref<!tpu.dma_semaphore, #tpu.memory_space<semaphore_mem>>
        %dma_wait3A_449 = arith.constant 3 : i32
        %dma_wait3A_450 = arith.constant 0 : i32
        %dma_wait3A_451 = tpu.memref_slice %arg6[%dma_wait3A_449, %dma_wait3A_450] : memref<4x128xi32, #tpu.memory_space<vmem>> -> memref<1x128xi32, #tpu.memory_space<vmem>>
        %dma_wait3A_452 = arith.constant 0 : i32
        %dma_wait3A_453 = tpu.memref_slice %arg3[%add3A_440, %dma_wait3A_452] : memref<1280x128xi32, #tpu.memory_space<hbm>> -> memref<1x128xi32, #tpu.memory_space<hbm>>
        tpu.wait_dma2 semaphore(%dma_wait3A_448 : memref<!tpu.dma_semaphore, #tpu.memory_space<semaphore_mem>>) src(%dma_wait3A_453 : memref<1x128xi32, #tpu.memory_space<hbm>>) dst(%dma_wait3A_451 : memref<1x128xi32, #tpu.memory_space<vmem>>)
        %dma_start3A_454 = arith.constant 3 : i32
        %dma_start3A_455 = arith.constant 1 : i32
        %dma_start3A_456 = arith.constant 1 : i32
        %dma_start3A_457 = arith.constant 0 : i32
        %dma_start3A_458 = arith.constant 0 : i32
        %dma_start3A_459 = tpu.memref_slice %arg8[%dma_start3A_455, %dma_start3A_457, %dma_start3A_458] : memref<2x128x128xf32, #tpu.memory_space<vmem>> -> memref<1x128x128xf32, #tpu.memory_space<vmem>>
        %dma_start3A_460 = tpu.memref_squeeze %dma_start3A_459 : memref<1x128x128xf32, #tpu.memory_space<vmem>> -> memref<128x128xf32, #tpu.memory_space<vmem>>
        %dma_start3A_461 = arith.constant 0 : i32
        %dma_start3A_462 = tpu.memref_slice %arg6[%dma_start3A_454, %dma_start3A_461] : memref<4x128xi32, #tpu.memory_space<vmem>> -> memref<1x128xi32, #tpu.memory_space<vmem>>
        %dma_start3A_463 = tpu.memref_squeeze %dma_start3A_462 : memref<1x128xi32, #tpu.memory_space<vmem>> -> memref<128xi32, #tpu.memory_space<vmem>>
        %dma_start3A_464 = arith.constant 0 : i32
        %dma_start3A_465 = arith.constant 0 : i32
        %dma_start3A_466 = tpu.memref_slice %arg2[%dma_start3A_464, %dma_start3A_465] : memref<130000x128xf32, #tpu.memory_space<hbm>> -> memref<130000x128xf32, #tpu.memory_space<hbm>>
        %dma_start3A_467 = tpu.memref_slice %arg12[%dma_start3A_456] : memref<2x!tpu.dma_semaphore, #tpu.memory_space<semaphore_mem>> -> memref<1x!tpu.dma_semaphore, #tpu.memory_space<semaphore_mem>>
        %dma_start3A_468 = tpu.memref_squeeze %dma_start3A_467 : memref<1x!tpu.dma_semaphore, #tpu.memory_space<semaphore_mem>> -> memref<!tpu.dma_semaphore, #tpu.memory_space<semaphore_mem>>
        tpu.enqueue_indirect_dma source(%dma_start3A_466 : memref<130000x128xf32, #tpu.memory_space<hbm>>) target(%dma_start3A_460 : memref<128x128xf32, #tpu.memory_space<vmem>>) offsets(%dma_start3A_463 : memref<128xi32, #tpu.memory_space<vmem>>) semaphore(%dma_start3A_468 : memref<!tpu.dma_semaphore, #tpu.memory_space<semaphore_mem>>)
      } else {
      }
      %add3A_373 = arith.constant 3 : i32
      %add3A_374 = arith.addi %add3A_178, %add3A_373 : i32
      %dma_wait3A_375 = arith.constant 3 : i32
      %dma_wait3A_376 = arith.constant 1 : i32
      %dma_wait3A_377 = arith.constant 1 : i32
      %dma_wait3A_378 = arith.constant 0 : i32
      %dma_wait3A_379 = arith.constant 0 : i32
      %dma_wait3A_380 = tpu.memref_slice %arg8[%dma_wait3A_376, %dma_wait3A_378, %dma_wait3A_379] : memref<2x128x128xf32, #tpu.memory_space<vmem>> -> memref<1x128x128xf32, #tpu.memory_space<vmem>>
      %dma_wait3A_381 = tpu.memref_squeeze %dma_wait3A_380 : memref<1x128x128xf32, #tpu.memory_space<vmem>> -> memref<128x128xf32, #tpu.memory_space<vmem>>
      %dma_wait3A_382 = arith.constant 0 : i32
      %dma_wait3A_383 = tpu.memref_slice %arg6[%dma_wait3A_375, %dma_wait3A_382] : memref<4x128xi32, #tpu.memory_space<vmem>> -> memref<1x128xi32, #tpu.memory_space<vmem>>
      %dma_wait3A_384 = tpu.memref_squeeze %dma_wait3A_383 : memref<1x128xi32, #tpu.memory_space<vmem>> -> memref<128xi32, #tpu.memory_space<vmem>>
      %dma_wait3A_385 = arith.constant 0 : i32
      %dma_wait3A_386 = arith.constant 0 : i32
      %dma_wait3A_387 = tpu.memref_slice %arg2[%dma_wait3A_385, %dma_wait3A_386] : memref<130000x128xf32, #tpu.memory_space<hbm>> -> memref<130000x128xf32, #tpu.memory_space<hbm>>
      %dma_wait3A_388 = tpu.memref_slice %arg12[%dma_wait3A_377] : memref<2x!tpu.dma_semaphore, #tpu.memory_space<semaphore_mem>> -> memref<1x!tpu.dma_semaphore, #tpu.memory_space<semaphore_mem>>
      %dma_wait3A_389 = tpu.memref_squeeze %dma_wait3A_388 : memref<1x!tpu.dma_semaphore, #tpu.memory_space<semaphore_mem>> -> memref<!tpu.dma_semaphore, #tpu.memory_space<semaphore_mem>>
      tpu.wait_indirect_dma semaphore(%dma_wait3A_389 : memref<!tpu.dma_semaphore, #tpu.memory_space<semaphore_mem>>) src(%dma_wait3A_387 : memref<130000x128xf32, #tpu.memory_space<hbm>>) dst(%dma_wait3A_381 : memref<128x128xf32, #tpu.memory_space<vmem>>)
      %add3A_390 = arith.addi %mul3A_30, %add3A_374 : i32
      %dma_wait3A_391 = arith.constant 3 : i32
      %dma_wait3A_392 = arith.constant 3 : i32
      %dma_wait3A_393 = arith.constant 0 : i32
      %dma_wait3A_394 = tpu.memref_slice %arg7[%dma_wait3A_392, %dma_wait3A_393] : memref<4x128xi32, #tpu.memory_space<vmem>> -> memref<1x128xi32, #tpu.memory_space<vmem>>
      %dma_wait3A_395 = arith.constant 0 : i32
      %dma_wait3A_396 = tpu.memref_slice %arg4[%add3A_390, %dma_wait3A_395] : memref<1280x128xi32, #tpu.memory_space<hbm>> -> memref<1x128xi32, #tpu.memory_space<hbm>>
      %dma_wait3A_397 = tpu.memref_slice %arg11[%dma_wait3A_391] : memref<4x!tpu.dma_semaphore, #tpu.memory_space<semaphore_mem>> -> memref<1x!tpu.dma_semaphore, #tpu.memory_space<semaphore_mem>>
      %dma_wait3A_398 = tpu.memref_squeeze %dma_wait3A_397 : memref<1x!tpu.dma_semaphore, #tpu.memory_space<semaphore_mem>> -> memref<!tpu.dma_semaphore, #tpu.memory_space<semaphore_mem>>
      %dma_wait3A_399 = arith.constant 3 : i32
      %dma_wait3A_400 = arith.constant 0 : i32
      %dma_wait3A_401 = tpu.memref_slice %arg7[%dma_wait3A_399, %dma_wait3A_400] : memref<4x128xi32, #tpu.memory_space<vmem>> -> memref<1x128xi32, #tpu.memory_space<vmem>>
      %dma_wait3A_402 = arith.constant 0 : i32
      %dma_wait3A_403 = tpu.memref_slice %arg4[%add3A_390, %dma_wait3A_402] : memref<1280x128xi32, #tpu.memory_space<hbm>> -> memref<1x128xi32, #tpu.memory_space<hbm>>
      tpu.wait_dma2 semaphore(%dma_wait3A_398 : memref<!tpu.dma_semaphore, #tpu.memory_space<semaphore_mem>>) src(%dma_wait3A_403 : memref<1x128xi32, #tpu.memory_space<hbm>>) dst(%dma_wait3A_401 : memref<1x128xi32, #tpu.memory_space<vmem>>)
      %dma_start3A_404 = arith.constant 1 : i32
      %dma_start3A_405 = arith.constant 3 : i32
      %dma_start3A_406 = arith.constant 1 : i32
      %dma_start3A_407 = arith.constant 0 : i32
      %dma_start3A_408 = arith.constant 0 : i32
      %dma_start3A_409 = tpu.memref_slice %arg8[%dma_start3A_404, %dma_start3A_407, %dma_start3A_408] : memref<2x128x128xf32, #tpu.memory_space<vmem>> -> memref<1x128x128xf32, #tpu.memory_space<vmem>>
      %dma_start3A_410 = tpu.memref_squeeze %dma_start3A_409 : memref<1x128x128xf32, #tpu.memory_space<vmem>> -> memref<128x128xf32, #tpu.memory_space<vmem>>
      %dma_start3A_411 = arith.constant 0 : i32
      %dma_start3A_412 = tpu.memref_slice %arg7[%dma_start3A_405, %dma_start3A_411] : memref<4x128xi32, #tpu.memory_space<vmem>> -> memref<1x128xi32, #tpu.memory_space<vmem>>
      %dma_start3A_413 = tpu.memref_squeeze %dma_start3A_412 : memref<1x128xi32, #tpu.memory_space<vmem>> -> memref<128xi32, #tpu.memory_space<vmem>>
      %dma_start3A_414 = arith.constant 0 : i32
      %dma_start3A_415 = arith.constant 0 : i32
      %dma_start3A_416 = tpu.memref_slice %arg9[%dma_start3A_414, %dma_start3A_415] : memref<10112x128xf32, #tpu.memory_space<vmem_shared>> -> memref<10112x128xf32, #tpu.memory_space<vmem_shared>>
      %dma_start3A_417 = tpu.memref_slice %arg13[%dma_start3A_406] : memref<2x!tpu.dma_semaphore, #tpu.memory_space<semaphore_mem>> -> memref<1x!tpu.dma_semaphore, #tpu.memory_space<semaphore_mem>>
      %dma_start3A_418 = tpu.memref_squeeze %dma_start3A_417 : memref<1x!tpu.dma_semaphore, #tpu.memory_space<semaphore_mem>> -> memref<!tpu.dma_semaphore, #tpu.memory_space<semaphore_mem>>
      tpu.enqueue_indirect_dma source(%dma_start3A_410 : memref<128x128xf32, #tpu.memory_space<vmem>>) target(%dma_start3A_416 : memref<10112x128xf32, #tpu.memory_space<vmem_shared>>) offsets(%dma_start3A_413 : memref<128xi32, #tpu.memory_space<vmem>>) semaphore(%dma_start3A_418 : memref<!tpu.dma_semaphore, #tpu.memory_space<semaphore_mem>>) {add = true}
      %ge3A_419 = arith.constant 1 : i32
      %ge3A_420 = arith.cmpi sge, %add3A_374, %ge3A_419 : i32
      %convert_element_type3A_421 = arith.extui %ge3A_420 : i1 to i32
      %cond3A_422 = arith.constant 0 : i32
      %cond3A_423 = arith.cmpi ne, %convert_element_type3A_421, %cond3A_422 : i32
      scf.if %cond3A_423 {
        %dma_wait3A_438 = arith.constant 0 : i32
        %dma_wait3A_439 = arith.constant 2 : i32
        %dma_wait3A_440 = arith.constant 0 : i32
        %dma_wait3A_441 = arith.constant 0 : i32
        %dma_wait3A_442 = arith.constant 0 : i32
        %dma_wait3A_443 = tpu.memref_slice %arg8[%dma_wait3A_438, %dma_wait3A_441, %dma_wait3A_442] : memref<2x128x128xf32, #tpu.memory_space<vmem>> -> memref<1x128x128xf32, #tpu.memory_space<vmem>>
        %dma_wait3A_444 = tpu.memref_squeeze %dma_wait3A_443 : memref<1x128x128xf32, #tpu.memory_space<vmem>> -> memref<128x128xf32, #tpu.memory_space<vmem>>
        %dma_wait3A_445 = arith.constant 0 : i32
        %dma_wait3A_446 = tpu.memref_slice %arg7[%dma_wait3A_439, %dma_wait3A_445] : memref<4x128xi32, #tpu.memory_space<vmem>> -> memref<1x128xi32, #tpu.memory_space<vmem>>
        %dma_wait3A_447 = tpu.memref_squeeze %dma_wait3A_446 : memref<1x128xi32, #tpu.memory_space<vmem>> -> memref<128xi32, #tpu.memory_space<vmem>>
        %dma_wait3A_448 = arith.constant 0 : i32
        %dma_wait3A_449 = arith.constant 0 : i32
        %dma_wait3A_450 = tpu.memref_slice %arg9[%dma_wait3A_448, %dma_wait3A_449] : memref<10112x128xf32, #tpu.memory_space<vmem_shared>> -> memref<10112x128xf32, #tpu.memory_space<vmem_shared>>
        %dma_wait3A_451 = tpu.memref_slice %arg13[%dma_wait3A_440] : memref<2x!tpu.dma_semaphore, #tpu.memory_space<semaphore_mem>> -> memref<1x!tpu.dma_semaphore, #tpu.memory_space<semaphore_mem>>
        %dma_wait3A_452 = tpu.memref_squeeze %dma_wait3A_451 : memref<1x!tpu.dma_semaphore, #tpu.memory_space<semaphore_mem>> -> memref<!tpu.dma_semaphore, #tpu.memory_space<semaphore_mem>>
        tpu.wait_indirect_dma semaphore(%dma_wait3A_452 : memref<!tpu.dma_semaphore, #tpu.memory_space<semaphore_mem>>) src(%dma_wait3A_444 : memref<128x128xf32, #tpu.memory_space<vmem>>) dst(%dma_wait3A_450 : memref<10112x128xf32, #tpu.memory_space<vmem_shared>>)
      } else {
      }
      %add3A_424 = arith.constant 3 : i32
      %add3A_425 = arith.addi %add3A_374, %add3A_424 : i32
      %lt3A_426 = arith.constant 40 : i32
      %lt3A_427 = arith.cmpi slt, %add3A_425, %lt3A_426 : i32
      %convert_element_type3A_428 = arith.extui %lt3A_427 : i1 to i32
      %cond3A_429 = arith.constant 0 : i32
      %cond3A_430 = arith.cmpi ne, %convert_element_type3A_428, %cond3A_429 : i32
      scf.if %cond3A_430 {
        %add3A_438 = arith.addi %mul3A_30, %add3A_374 : i32
        %add3A_439 = arith.constant 3 : i32
        %add3A_440 = arith.addi %add3A_438, %add3A_439 : i32
        %dma_start3A_441 = arith.constant 2 : i32
        %dma_start3A_442 = arith.constant 2 : i32
        %dma_start3A_443 = arith.constant 0 : i32
        %dma_start3A_444 = tpu.memref_slice %arg6[%dma_start3A_442, %dma_start3A_443] : memref<4x128xi32, #tpu.memory_space<vmem>> -> memref<1x128xi32, #tpu.memory_space<vmem>>
        %dma_start3A_445 = arith.constant 0 : i32
        %dma_start3A_446 = tpu.memref_slice %arg3[%add3A_440, %dma_start3A_445] : memref<1280x128xi32, #tpu.memory_space<hbm>> -> memref<1x128xi32, #tpu.memory_space<hbm>>
        %dma_start3A_447 = tpu.memref_slice %arg10[%dma_start3A_441] : memref<4x!tpu.dma_semaphore, #tpu.memory_space<semaphore_mem>> -> memref<1x!tpu.dma_semaphore, #tpu.memory_space<semaphore_mem>>
        %dma_start3A_448 = tpu.memref_squeeze %dma_start3A_447 : memref<1x!tpu.dma_semaphore, #tpu.memory_space<semaphore_mem>> -> memref<!tpu.dma_semaphore, #tpu.memory_space<semaphore_mem>>
        %dma_start3A_449 = arith.constant 2 : i32
        %dma_start3A_450 = arith.constant 0 : i32
        %dma_start3A_451 = tpu.memref_slice %arg6[%dma_start3A_449, %dma_start3A_450] : memref<4x128xi32, #tpu.memory_space<vmem>> -> memref<1x128xi32, #tpu.memory_space<vmem>>
        %dma_start3A_452 = arith.constant 0 : i32
        %dma_start3A_453 = tpu.memref_slice %arg3[%add3A_440, %dma_start3A_452] : memref<1280x128xi32, #tpu.memory_space<hbm>> -> memref<1x128xi32, #tpu.memory_space<hbm>>
        tpu.enqueue_dma source(%dma_start3A_453 : memref<1x128xi32, #tpu.memory_space<hbm>>) target(%dma_start3A_451 : memref<1x128xi32, #tpu.memory_space<vmem>>) target_semaphore(%dma_start3A_448 : memref<!tpu.dma_semaphore, #tpu.memory_space<semaphore_mem>>)
        %add3A_454 = arith.addi %mul3A_30, %add3A_374 : i32
        %add3A_455 = arith.constant 3 : i32
        %add3A_456 = arith.addi %add3A_454, %add3A_455 : i32
        %dma_start3A_457 = arith.constant 2 : i32
        %dma_start3A_458 = arith.constant 2 : i32
        %dma_start3A_459 = arith.constant 0 : i32
        %dma_start3A_460 = tpu.memref_slice %arg7[%dma_start3A_458, %dma_start3A_459] : memref<4x128xi32, #tpu.memory_space<vmem>> -> memref<1x128xi32, #tpu.memory_space<vmem>>
        %dma_start3A_461 = arith.constant 0 : i32
        %dma_start3A_462 = tpu.memref_slice %arg4[%add3A_456, %dma_start3A_461] : memref<1280x128xi32, #tpu.memory_space<hbm>> -> memref<1x128xi32, #tpu.memory_space<hbm>>
        %dma_start3A_463 = tpu.memref_slice %arg11[%dma_start3A_457] : memref<4x!tpu.dma_semaphore, #tpu.memory_space<semaphore_mem>> -> memref<1x!tpu.dma_semaphore, #tpu.memory_space<semaphore_mem>>
        %dma_start3A_464 = tpu.memref_squeeze %dma_start3A_463 : memref<1x!tpu.dma_semaphore, #tpu.memory_space<semaphore_mem>> -> memref<!tpu.dma_semaphore, #tpu.memory_space<semaphore_mem>>
        %dma_start3A_465 = arith.constant 2 : i32
        %dma_start3A_466 = arith.constant 0 : i32
        %dma_start3A_467 = tpu.memref_slice %arg7[%dma_start3A_465, %dma_start3A_466] : memref<4x128xi32, #tpu.memory_space<vmem>> -> memref<1x128xi32, #tpu.memory_space<vmem>>
        %dma_start3A_468 = arith.constant 0 : i32
        %dma_start3A_469 = tpu.memref_slice %arg4[%add3A_456, %dma_start3A_468] : memref<1280x128xi32, #tpu.memory_space<hbm>> -> memref<1x128xi32, #tpu.memory_space<hbm>>
        tpu.enqueue_dma source(%dma_start3A_469 : memref<1x128xi32, #tpu.memory_space<hbm>>) target(%dma_start3A_467 : memref<1x128xi32, #tpu.memory_space<vmem>>) target_semaphore(%dma_start3A_464 : memref<!tpu.dma_semaphore, #tpu.memory_space<semaphore_mem>>)
      } else {
      }
      %add3A_431 = arith.constant 1 : i32
      %add3A_432 = arith.addi %add3A_374, %add3A_431 : i32
      %lt3A_433 = arith.constant 40 : i32
      %lt3A_434 = arith.cmpi slt, %add3A_432, %lt3A_433 : i32
      %convert_element_type3A_435 = arith.extui %lt3A_434 : i1 to i32
      %cond3A_436 = arith.constant 0 : i32
      %cond3A_437 = arith.cmpi ne, %convert_element_type3A_435, %cond3A_436 : i32
      scf.if %cond3A_437 {
        %add3A_438 = arith.addi %mul3A_30, %add3A_374 : i32
        %add3A_439 = arith.constant 1 : i32
        %add3A_440 = arith.addi %add3A_438, %add3A_439 : i32
        %dma_wait3A_441 = arith.constant 0 : i32
        %dma_wait3A_442 = arith.constant 0 : i32
        %dma_wait3A_443 = arith.constant 0 : i32
        %dma_wait3A_444 = tpu.memref_slice %arg6[%dma_wait3A_442, %dma_wait3A_443] : memref<4x128xi32, #tpu.memory_space<vmem>> -> memref<1x128xi32, #tpu.memory_space<vmem>>
        %dma_wait3A_445 = arith.constant 0 : i32
        %dma_wait3A_446 = tpu.memref_slice %arg3[%add3A_440, %dma_wait3A_445] : memref<1280x128xi32, #tpu.memory_space<hbm>> -> memref<1x128xi32, #tpu.memory_space<hbm>>
        %dma_wait3A_447 = tpu.memref_slice %arg10[%dma_wait3A_441] : memref<4x!tpu.dma_semaphore, #tpu.memory_space<semaphore_mem>> -> memref<1x!tpu.dma_semaphore, #tpu.memory_space<semaphore_mem>>
        %dma_wait3A_448 = tpu.memref_squeeze %dma_wait3A_447 : memref<1x!tpu.dma_semaphore, #tpu.memory_space<semaphore_mem>> -> memref<!tpu.dma_semaphore, #tpu.memory_space<semaphore_mem>>
        %dma_wait3A_449 = arith.constant 0 : i32
        %dma_wait3A_450 = arith.constant 0 : i32
        %dma_wait3A_451 = tpu.memref_slice %arg6[%dma_wait3A_449, %dma_wait3A_450] : memref<4x128xi32, #tpu.memory_space<vmem>> -> memref<1x128xi32, #tpu.memory_space<vmem>>
        %dma_wait3A_452 = arith.constant 0 : i32
        %dma_wait3A_453 = tpu.memref_slice %arg3[%add3A_440, %dma_wait3A_452] : memref<1280x128xi32, #tpu.memory_space<hbm>> -> memref<1x128xi32, #tpu.memory_space<hbm>>
        tpu.wait_dma2 semaphore(%dma_wait3A_448 : memref<!tpu.dma_semaphore, #tpu.memory_space<semaphore_mem>>) src(%dma_wait3A_453 : memref<1x128xi32, #tpu.memory_space<hbm>>) dst(%dma_wait3A_451 : memref<1x128xi32, #tpu.memory_space<vmem>>)
        %dma_start3A_454 = arith.constant 0 : i32
        %dma_start3A_455 = arith.constant 0 : i32
        %dma_start3A_456 = arith.constant 0 : i32
        %dma_start3A_457 = arith.constant 0 : i32
        %dma_start3A_458 = arith.constant 0 : i32
        %dma_start3A_459 = tpu.memref_slice %arg8[%dma_start3A_455, %dma_start3A_457, %dma_start3A_458] : memref<2x128x128xf32, #tpu.memory_space<vmem>> -> memref<1x128x128xf32, #tpu.memory_space<vmem>>
        %dma_start3A_460 = tpu.memref_squeeze %dma_start3A_459 : memref<1x128x128xf32, #tpu.memory_space<vmem>> -> memref<128x128xf32, #tpu.memory_space<vmem>>
        %dma_start3A_461 = arith.constant 0 : i32
        %dma_start3A_462 = tpu.memref_slice %arg6[%dma_start3A_454, %dma_start3A_461] : memref<4x128xi32, #tpu.memory_space<vmem>> -> memref<1x128xi32, #tpu.memory_space<vmem>>
        %dma_start3A_463 = tpu.memref_squeeze %dma_start3A_462 : memref<1x128xi32, #tpu.memory_space<vmem>> -> memref<128xi32, #tpu.memory_space<vmem>>
        %dma_start3A_464 = arith.constant 0 : i32
        %dma_start3A_465 = arith.constant 0 : i32
        %dma_start3A_466 = tpu.memref_slice %arg2[%dma_start3A_464, %dma_start3A_465] : memref<130000x128xf32, #tpu.memory_space<hbm>> -> memref<130000x128xf32, #tpu.memory_space<hbm>>
        %dma_start3A_467 = tpu.memref_slice %arg12[%dma_start3A_456] : memref<2x!tpu.dma_semaphore, #tpu.memory_space<semaphore_mem>> -> memref<1x!tpu.dma_semaphore, #tpu.memory_space<semaphore_mem>>
        %dma_start3A_468 = tpu.memref_squeeze %dma_start3A_467 : memref<1x!tpu.dma_semaphore, #tpu.memory_space<semaphore_mem>> -> memref<!tpu.dma_semaphore, #tpu.memory_space<semaphore_mem>>
        tpu.enqueue_indirect_dma source(%dma_start3A_466 : memref<130000x128xf32, #tpu.memory_space<hbm>>) target(%dma_start3A_460 : memref<128x128xf32, #tpu.memory_space<vmem>>) offsets(%dma_start3A_463 : memref<128xi32, #tpu.memory_space<vmem>>) semaphore(%dma_start3A_468 : memref<!tpu.dma_semaphore, #tpu.memory_space<semaphore_mem>>)
      } else {
      }
    }
    %scan3A_151 = arith.constant 10 : i32
    %dma_wait3A_152 = arith.constant 1 : i32
    %dma_wait3A_153 = arith.constant 3 : i32
    %dma_wait3A_154 = arith.constant 1 : i32
    %dma_wait3A_155 = arith.constant 0 : i32
    %dma_wait3A_156 = arith.constant 0 : i32
    %dma_wait3A_157 = tpu.memref_slice %arg8[%dma_wait3A_152, %dma_wait3A_155, %dma_wait3A_156] : memref<2x128x128xf32, #tpu.memory_space<vmem>> -> memref<1x128x128xf32, #tpu.memory_space<vmem>>
    %dma_wait3A_158 = tpu.memref_squeeze %dma_wait3A_157 : memref<1x128x128xf32, #tpu.memory_space<vmem>> -> memref<128x128xf32, #tpu.memory_space<vmem>>
    %dma_wait3A_159 = arith.constant 0 : i32
    %dma_wait3A_160 = tpu.memref_slice %arg7[%dma_wait3A_153, %dma_wait3A_159] : memref<4x128xi32, #tpu.memory_space<vmem>> -> memref<1x128xi32, #tpu.memory_space<vmem>>
    %dma_wait3A_161 = tpu.memref_squeeze %dma_wait3A_160 : memref<1x128xi32, #tpu.memory_space<vmem>> -> memref<128xi32, #tpu.memory_space<vmem>>
    %dma_wait3A_162 = arith.constant 0 : i32
    %dma_wait3A_163 = arith.constant 0 : i32
    %dma_wait3A_164 = tpu.memref_slice %arg9[%dma_wait3A_162, %dma_wait3A_163] : memref<10112x128xf32, #tpu.memory_space<vmem_shared>> -> memref<10112x128xf32, #tpu.memory_space<vmem_shared>>
    %dma_wait3A_165 = tpu.memref_slice %arg13[%dma_wait3A_154] : memref<2x!tpu.dma_semaphore, #tpu.memory_space<semaphore_mem>> -> memref<1x!tpu.dma_semaphore, #tpu.memory_space<semaphore_mem>>
    %dma_wait3A_166 = tpu.memref_squeeze %dma_wait3A_165 : memref<1x!tpu.dma_semaphore, #tpu.memory_space<semaphore_mem>> -> memref<!tpu.dma_semaphore, #tpu.memory_space<semaphore_mem>>
    tpu.wait_indirect_dma semaphore(%dma_wait3A_166 : memref<!tpu.dma_semaphore, #tpu.memory_space<semaphore_mem>>) src(%dma_wait3A_158 : memref<128x128xf32, #tpu.memory_space<vmem>>) dst(%dma_wait3A_164 : memref<10112x128xf32, #tpu.memory_space<vmem_shared>>)
    %barrier3A_167 = arith.constant 0 : index
    tpu.barrier barrier_id(%barrier3A_167)
    %lt3A = arith.constant 15 : i32
    %lt3A_168 = arith.cmpi slt, %arg1, %lt3A : i32
    %convert_element_type3A = arith.extui %lt3A_168 : i1 to i32
    %cond3A = arith.constant 0 : i32
    %cond3A_169 = arith.cmpi ne, %convert_element_type3A, %cond3A : i32
    scf.if %cond3A_169 {
      %mul3A_174 = arith.constant 624 : i32
      %mul3A_175 = arith.muli %arg1, %mul3A_174 : i32
      %mul3A_176 = arith.constant 624 : i32
      %mul3A_177 = arith.muli %arg1, %mul3A_176 : i32
      "tpu.region"() ({
        %run_scoped3A_178 = tpu.sem_alloc : memref<!tpu.dma_semaphore, #tpu.memory_space<semaphore_mem>>
        %dma_start3A_179 = arith.constant 0 : i32
        %dma_start3A_180 = tpu.memref_slice %arg5[%arg0, %mul3A_177, %dma_start3A_179] : memref<2x10000x128xf32, #tpu.memory_space<hbm>> -> memref<1x624x128xf32, #tpu.memory_space<hbm>>
        %dma_start3A_181 = tpu.memref_squeeze %dma_start3A_180 : memref<1x624x128xf32, #tpu.memory_space<hbm>> -> memref<624x128xf32, #tpu.memory_space<hbm>>
        %dma_start3A_182 = arith.constant 0 : i32
        %dma_start3A_183 = tpu.memref_slice %arg9[%mul3A_175, %dma_start3A_182] : memref<10112x128xf32, #tpu.memory_space<vmem_shared>> -> memref<624x128xf32, #tpu.memory_space<vmem_shared>>
        tpu.enqueue_dma source(%dma_start3A_183 : memref<624x128xf32, #tpu.memory_space<vmem_shared>>) target(%dma_start3A_181 : memref<624x128xf32, #tpu.memory_space<hbm>>) target_semaphore(%run_scoped3A_178 : memref<!tpu.dma_semaphore, #tpu.memory_space<semaphore_mem>>)
        %dma_wait3A_184 = arith.constant 0 : i32
        %dma_wait3A_185 = tpu.memref_slice %arg5[%arg0, %mul3A_177, %dma_wait3A_184] : memref<2x10000x128xf32, #tpu.memory_space<hbm>> -> memref<1x624x128xf32, #tpu.memory_space<hbm>>
        %dma_wait3A_186 = tpu.memref_squeeze %dma_wait3A_185 : memref<1x624x128xf32, #tpu.memory_space<hbm>> -> memref<624x128xf32, #tpu.memory_space<hbm>>
        %dma_wait3A_187 = arith.constant 0 : i32
        %dma_wait3A_188 = tpu.memref_slice %arg9[%mul3A_175, %dma_wait3A_187] : memref<10112x128xf32, #tpu.memory_space<vmem_shared>> -> memref<624x128xf32, #tpu.memory_space<vmem_shared>>
        tpu.wait_dma2 semaphore(%run_scoped3A_178 : memref<!tpu.dma_semaphore, #tpu.memory_space<semaphore_mem>>) src(%dma_wait3A_188 : memref<624x128xf32, #tpu.memory_space<vmem_shared>>) dst(%dma_wait3A_186 : memref<624x128xf32, #tpu.memory_space<hbm>>)
        tpu.yield
      }) : () -> ()
    } else {
    }
    %eq3A = arith.constant 15 : i32
    %eq3A_170 = arith.cmpi eq, %arg1, %eq3A : i32
    %convert_element_type3A_171 = arith.extui %eq3A_170 : i1 to i32
    %cond3A_172 = arith.constant 0 : i32
    %cond3A_173 = arith.cmpi ne, %convert_element_type3A_171, %cond3A_172 : i32
    scf.if %cond3A_173 {
      "tpu.region"() ({
        %run_scoped3A_174 = tpu.sem_alloc : memref<!tpu.dma_semaphore, #tpu.memory_space<semaphore_mem>>
        %dma_start3A_175 = arith.constant 9360 : i32
        %dma_start3A_176 = arith.constant 0 : i32
        %dma_start3A_177 = tpu.memref_slice %arg5[%arg0, %dma_start3A_175, %dma_start3A_176] : memref<2x10000x128xf32, #tpu.memory_space<hbm>> -> memref<1x640x128xf32, #tpu.memory_space<hbm>>
        %dma_start3A_178 = tpu.memref_squeeze %dma_start3A_177 : memref<1x640x128xf32, #tpu.memory_space<hbm>> -> memref<640x128xf32, #tpu.memory_space<hbm>>
        %dma_start3A_179 = arith.constant 9360 : i32
        %dma_start3A_180 = arith.constant 0 : i32
        %dma_start3A_181 = tpu.memref_slice %arg9[%dma_start3A_179, %dma_start3A_180] : memref<10112x128xf32, #tpu.memory_space<vmem_shared>> -> memref<640x128xf32, #tpu.memory_space<vmem_shared>>
        tpu.enqueue_dma source(%dma_start3A_181 : memref<640x128xf32, #tpu.memory_space<vmem_shared>>) target(%dma_start3A_178 : memref<640x128xf32, #tpu.memory_space<hbm>>) target_semaphore(%run_scoped3A_174 : memref<!tpu.dma_semaphore, #tpu.memory_space<semaphore_mem>>)
        %dma_wait3A_182 = arith.constant 9360 : i32
        %dma_wait3A_183 = arith.constant 0 : i32
        %dma_wait3A_184 = tpu.memref_slice %arg5[%arg0, %dma_wait3A_182, %dma_wait3A_183] : memref<2x10000x128xf32, #tpu.memory_space<hbm>> -> memref<1x640x128xf32, #tpu.memory_space<hbm>>
        %dma_wait3A_185 = tpu.memref_squeeze %dma_wait3A_184 : memref<1x640x128xf32, #tpu.memory_space<hbm>> -> memref<640x128xf32, #tpu.memory_space<hbm>>
        %dma_wait3A_186 = arith.constant 9360 : i32
        %dma_wait3A_187 = arith.constant 0 : i32
        %dma_wait3A_188 = tpu.memref_slice %arg9[%dma_wait3A_186, %dma_wait3A_187] : memref<10112x128xf32, #tpu.memory_space<vmem_shared>> -> memref<640x128xf32, #tpu.memory_space<vmem_shared>>
        tpu.wait_dma2 semaphore(%run_scoped3A_174 : memref<!tpu.dma_semaphore, #tpu.memory_space<semaphore_mem>>) src(%dma_wait3A_188 : memref<640x128xf32, #tpu.memory_space<vmem_shared>>) dst(%dma_wait3A_185 : memref<640x128xf32, #tpu.memory_space<hbm>>)
        tpu.yield
      }) : () -> ()
    } else {
    }
    return
  }
}

module attributes {stable_mosaic.version = 14 : i64} {
  func.func @_table_body(%arg0: i32, %arg1: memref<1000x128xf32, #tpu.memory_space<vmem>>, %arg2: memref<128x128xf32, #tpu.memory_space<vmem>>, %arg3: memref<1x128xf32, #tpu.memory_space<vmem>>, %arg4: memref<2x128x128xf32, #tpu.memory_space<vmem>>, %arg5: memref<13x2xf32, #tpu.memory_space<smem>>, %arg6: memref<128x128xi32, #tpu.memory_space<vmem>>, %arg7: memref<128x128xi32, #tpu.memory_space<vmem>>, %arg8: memref<1000x128xf32, #tpu.memory_space<vmem>>, %arg9: memref<13x1000x128xf32, #tpu.memory_space<vmem>>, %arg10: memref<128x128xi32, #tpu.memory_space<vmem>>) attributes {dimension_semantics = [#tpu.dimension_semantics<arbitrary>], iteration_bounds = array<i64: 10>, scalar_prefetch = 0 : i64, scratch_operands = 0 : i64, tpu.core_type = #tpu.core_type<tc>, window_params = [{transform_indices = @transform_0, window_bounds = array<i64: 1000, 128>}, {pipeline_mode = #tpu.pipeline_mode<synchronous>, transform_indices = @transform_1, window_bounds = array<i64: 128, 128>}, {pipeline_mode = #tpu.pipeline_mode<synchronous>, transform_indices = @transform_2, window_bounds = array<i64: 1, 128>}, {pipeline_mode = #tpu.pipeline_mode<synchronous>, transform_indices = @transform_3, window_bounds = array<i64: 2, 128, 128>}, {transform_indices = @transform_4, window_bounds = array<i64: 13, 2>}, {transform_indices = @transform_5, window_bounds = array<i64: 128, 128>}, {transform_indices = @transform_6, window_bounds = array<i64: 128, 128>}, {transform_indices = @transform_7, window_bounds = array<i64: 1000, 128>}, {transform_indices = @transform_8, window_bounds = array<i64: 13, 1000, 128>}, {transform_indices = @transform_9, window_bounds = array<i64: 128, 128>}]} {
    %get3A = arith.constant 0 : index
    %get3A_0 = arith.constant 0 : index
    %get3A_1 = vector.load %arg1[%get3A, %get3A_0] : memref<1000x128xf32, #tpu.memory_space<vmem>>, vector<1000x128xf32>
    %get3A_2 = arith.constant 0 : index
    %get3A_3 = arith.constant 0 : index
    %get3A_4 = vector.load %arg2[%get3A_2, %get3A_3] : memref<128x128xf32, #tpu.memory_space<vmem>>, vector<128x128xf32>
    %dot_general3A = arith.constant dense<0.000000e+00> : vector<1000x128xf32>
    %dot_general3A_5 = tpu.matmul %get3A_1, %get3A_4, %dot_general3A {dimension_numbers = #tpu.dot_dimension_numbers<[1], [0], [0], [1], [0, 0, 1, 1], [], []>, transpose_lhs_hint = false} : vector<1000x128xf32>, vector<128x128xf32>, vector<1000x128xf32> -> vector<1000x128xf32>
    %get3A_6 = arith.constant 0 : index
    %get3A_7 = arith.constant 0 : index
    %get3A_8 = vector.load %arg3[%get3A_6, %get3A_7] : memref<1x128xf32, #tpu.memory_space<vmem>>, vector<1x128xf32>
    %add3A = vector.broadcast %get3A_8 : vector<1x128xf32> to vector<1000x128xf32>
    %add3A_9 = arith.addf %dot_general3A_5, %add3A : vector<1000x128xf32>
    %swap3A = arith.constant 0 : index
    %swap3A_10 = arith.constant 0 : index
    %swap3A_11 = vector.load %arg8[%swap3A, %swap3A_10] : memref<1000x128xf32, #tpu.memory_space<vmem>>, vector<1000x128xf32>
    tpu.vector_store %arg8[%swap3A, %swap3A_10], %add3A_9 {strides = array<i32>} : memref<1000x128xf32, #tpu.memory_space<vmem>>, vector<1000x128xf32>,
    %get3A_12 = arith.constant 0 : index
    %get3A_13 = arith.constant 0 : index
    %get3A_14 = arith.constant 0 : index
    %get3A_15 = vector.load %arg4[%get3A_12, %get3A_13, %get3A_14] : memref<2x128x128xf32, #tpu.memory_space<vmem>>, vector<1x128x128xf32>
    %get3A_16 = vector.shape_cast %get3A_15 : vector<1x128x128xf32> to vector<128x128xf32>
    %dot_general3A_17 = arith.constant dense<0.000000e+00> : vector<1000x128xf32>
    %dot_general3A_18 = tpu.matmul %get3A_1, %get3A_16, %dot_general3A_17 {dimension_numbers = #tpu.dot_dimension_numbers<[1], [0], [0], [1], [0, 0, 1, 1], [], []>, transpose_lhs_hint = false} : vector<1000x128xf32>, vector<128x128xf32>, vector<1000x128xf32> -> vector<1000x128xf32>
    %get3A_19 = arith.constant 1 : index
    %get3A_20 = arith.constant 0 : index
    %get3A_21 = arith.constant 0 : index
    %get3A_22 = vector.load %arg4[%get3A_19, %get3A_20, %get3A_21] : memref<2x128x128xf32, #tpu.memory_space<vmem>>, vector<1x128x128xf32>
    %get3A_23 = vector.shape_cast %get3A_22 : vector<1x128x128xf32> to vector<128x128xf32>
    %dot_general3A_24 = arith.constant dense<0.000000e+00> : vector<1000x128xf32>
    %dot_general3A_25 = tpu.matmul %get3A_1, %get3A_23, %dot_general3A_24 {dimension_numbers = #tpu.dot_dimension_numbers<[1], [0], [0], [1], [0, 0, 1, 1], [], []>, transpose_lhs_hint = false} : vector<1000x128xf32>, vector<128x128xf32>, vector<1000x128xf32> -> vector<1000x128xf32>
    %get3A_26 = arith.constant 0 : index
    %get3A_27 = arith.constant 0 : index
    %get3A_28 = memref.load %arg5[%get3A_26, %get3A_27] : memref<13x2xf32, #tpu.memory_space<smem>>
    %mul3A = vector.broadcast %get3A_28 : f32 to vector<1000x128xf32>
    %mul3A_29 = arith.mulf %mul3A, %dot_general3A_18 : vector<1000x128xf32>
    %get3A_30 = arith.constant 0 : index
    %get3A_31 = arith.constant 1 : index
    %get3A_32 = memref.load %arg5[%get3A_30, %get3A_31] : memref<13x2xf32, #tpu.memory_space<smem>>
    %mul3A_33 = vector.broadcast %get3A_32 : f32 to vector<1000x128xf32>
    %mul3A_34 = arith.mulf %mul3A_33, %dot_general3A_25 : vector<1000x128xf32>
    %add3A_35 = arith.addf %mul3A_29, %mul3A_34 : vector<1000x128xf32>
    %swap3A_36 = arith.constant 0 : index
    %swap3A_37 = arith.constant 0 : index
    %swap3A_38 = arith.constant 0 : index
    %swap3A_39 = vector.load %arg9[%swap3A_36, %swap3A_37, %swap3A_38] : memref<13x1000x128xf32, #tpu.memory_space<vmem>>, vector<1x1000x128xf32>
    %swap3A_40 = vector.shape_cast %swap3A_39 : vector<1x1000x128xf32> to vector<1000x128xf32>
    %swap3A_41 = vector.shape_cast %add3A_35 : vector<1000x128xf32> to vector<1x1000x128xf32>
    tpu.vector_store %arg9[%swap3A_36, %swap3A_37, %swap3A_38], %swap3A_41 {strides = array<i32>} : memref<13x1000x128xf32, #tpu.memory_space<vmem>>, vector<1x1000x128xf32>,
    %get3A_42 = arith.constant 1 : index
    %get3A_43 = arith.constant 0 : index
    %get3A_44 = memref.load %arg5[%get3A_42, %get3A_43] : memref<13x2xf32, #tpu.memory_space<smem>>
    %mul3A_45 = vector.broadcast %get3A_44 : f32 to vector<1000x128xf32>
    %mul3A_46 = arith.mulf %mul3A_45, %dot_general3A_18 : vector<1000x128xf32>
    %get3A_47 = arith.constant 1 : index
    %get3A_48 = arith.constant 1 : index
    %get3A_49 = memref.load %arg5[%get3A_47, %get3A_48] : memref<13x2xf32, #tpu.memory_space<smem>>
    %mul3A_50 = vector.broadcast %get3A_49 : f32 to vector<1000x128xf32>
    %mul3A_51 = arith.mulf %mul3A_50, %dot_general3A_25 : vector<1000x128xf32>
    %add3A_52 = arith.addf %mul3A_46, %mul3A_51 : vector<1000x128xf32>
    %swap3A_53 = arith.constant 1 : index
    %swap3A_54 = arith.constant 0 : index
    %swap3A_55 = arith.constant 0 : index
    %swap3A_56 = vector.load %arg9[%swap3A_53, %swap3A_54, %swap3A_55] : memref<13x1000x128xf32, #tpu.memory_space<vmem>>, vector<1x1000x128xf32>
    %swap3A_57 = vector.shape_cast %swap3A_56 : vector<1x1000x128xf32> to vector<1000x128xf32>
    %swap3A_58 = vector.shape_cast %add3A_52 : vector<1000x128xf32> to vector<1x1000x128xf32>
    tpu.vector_store %arg9[%swap3A_53, %swap3A_54, %swap3A_55], %swap3A_58 {strides = array<i32>} : memref<13x1000x128xf32, #tpu.memory_space<vmem>>, vector<1x1000x128xf32>,
    %get3A_59 = arith.constant 2 : index
    %get3A_60 = arith.constant 0 : index
    %get3A_61 = memref.load %arg5[%get3A_59, %get3A_60] : memref<13x2xf32, #tpu.memory_space<smem>>
    %mul3A_62 = vector.broadcast %get3A_61 : f32 to vector<1000x128xf32>
    %mul3A_63 = arith.mulf %mul3A_62, %dot_general3A_18 : vector<1000x128xf32>
    %get3A_64 = arith.constant 2 : index
    %get3A_65 = arith.constant 1 : index
    %get3A_66 = memref.load %arg5[%get3A_64, %get3A_65] : memref<13x2xf32, #tpu.memory_space<smem>>
    %mul3A_67 = vector.broadcast %get3A_66 : f32 to vector<1000x128xf32>
    %mul3A_68 = arith.mulf %mul3A_67, %dot_general3A_25 : vector<1000x128xf32>
    %add3A_69 = arith.addf %mul3A_63, %mul3A_68 : vector<1000x128xf32>
    %swap3A_70 = arith.constant 2 : index
    %swap3A_71 = arith.constant 0 : index
    %swap3A_72 = arith.constant 0 : index
    %swap3A_73 = vector.load %arg9[%swap3A_70, %swap3A_71, %swap3A_72] : memref<13x1000x128xf32, #tpu.memory_space<vmem>>, vector<1x1000x128xf32>
    %swap3A_74 = vector.shape_cast %swap3A_73 : vector<1x1000x128xf32> to vector<1000x128xf32>
    %swap3A_75 = vector.shape_cast %add3A_69 : vector<1000x128xf32> to vector<1x1000x128xf32>
    tpu.vector_store %arg9[%swap3A_70, %swap3A_71, %swap3A_72], %swap3A_75 {strides = array<i32>} : memref<13x1000x128xf32, #tpu.memory_space<vmem>>, vector<1x1000x128xf32>,
    %get3A_76 = arith.constant 3 : index
    %get3A_77 = arith.constant 0 : index
    %get3A_78 = memref.load %arg5[%get3A_76, %get3A_77] : memref<13x2xf32, #tpu.memory_space<smem>>
    %mul3A_79 = vector.broadcast %get3A_78 : f32 to vector<1000x128xf32>
    %mul3A_80 = arith.mulf %mul3A_79, %dot_general3A_18 : vector<1000x128xf32>
    %get3A_81 = arith.constant 3 : index
    %get3A_82 = arith.constant 1 : index
    %get3A_83 = memref.load %arg5[%get3A_81, %get3A_82] : memref<13x2xf32, #tpu.memory_space<smem>>
    %mul3A_84 = vector.broadcast %get3A_83 : f32 to vector<1000x128xf32>
    %mul3A_85 = arith.mulf %mul3A_84, %dot_general3A_25 : vector<1000x128xf32>
    %add3A_86 = arith.addf %mul3A_80, %mul3A_85 : vector<1000x128xf32>
    %swap3A_87 = arith.constant 3 : index
    %swap3A_88 = arith.constant 0 : index
    %swap3A_89 = arith.constant 0 : index
    %swap3A_90 = vector.load %arg9[%swap3A_87, %swap3A_88, %swap3A_89] : memref<13x1000x128xf32, #tpu.memory_space<vmem>>, vector<1x1000x128xf32>
    %swap3A_91 = vector.shape_cast %swap3A_90 : vector<1x1000x128xf32> to vector<1000x128xf32>
    %swap3A_92 = vector.shape_cast %add3A_86 : vector<1000x128xf32> to vector<1x1000x128xf32>
    tpu.vector_store %arg9[%swap3A_87, %swap3A_88, %swap3A_89], %swap3A_92 {strides = array<i32>} : memref<13x1000x128xf32, #tpu.memory_space<vmem>>, vector<1x1000x128xf32>,
    %get3A_93 = arith.constant 4 : index
    %get3A_94 = arith.constant 0 : index
    %get3A_95 = memref.load %arg5[%get3A_93, %get3A_94] : memref<13x2xf32, #tpu.memory_space<smem>>
    %mul3A_96 = vector.broadcast %get3A_95 : f32 to vector<1000x128xf32>
    %mul3A_97 = arith.mulf %mul3A_96, %dot_general3A_18 : vector<1000x128xf32>
    %get3A_98 = arith.constant 4 : index
    %get3A_99 = arith.constant 1 : index
    %get3A_100 = memref.load %arg5[%get3A_98, %get3A_99] : memref<13x2xf32, #tpu.memory_space<smem>>
    %mul3A_101 = vector.broadcast %get3A_100 : f32 to vector<1000x128xf32>
    %mul3A_102 = arith.mulf %mul3A_101, %dot_general3A_25 : vector<1000x128xf32>
    %add3A_103 = arith.addf %mul3A_97, %mul3A_102 : vector<1000x128xf32>
    %swap3A_104 = arith.constant 4 : index
    %swap3A_105 = arith.constant 0 : index
    %swap3A_106 = arith.constant 0 : index
    %swap3A_107 = vector.load %arg9[%swap3A_104, %swap3A_105, %swap3A_106] : memref<13x1000x128xf32, #tpu.memory_space<vmem>>, vector<1x1000x128xf32>
    %swap3A_108 = vector.shape_cast %swap3A_107 : vector<1x1000x128xf32> to vector<1000x128xf32>
    %swap3A_109 = vector.shape_cast %add3A_103 : vector<1000x128xf32> to vector<1x1000x128xf32>
    tpu.vector_store %arg9[%swap3A_104, %swap3A_105, %swap3A_106], %swap3A_109 {strides = array<i32>} : memref<13x1000x128xf32, #tpu.memory_space<vmem>>, vector<1x1000x128xf32>,
    %get3A_110 = arith.constant 5 : index
    %get3A_111 = arith.constant 0 : index
    %get3A_112 = memref.load %arg5[%get3A_110, %get3A_111] : memref<13x2xf32, #tpu.memory_space<smem>>
    %mul3A_113 = vector.broadcast %get3A_112 : f32 to vector<1000x128xf32>
    %mul3A_114 = arith.mulf %mul3A_113, %dot_general3A_18 : vector<1000x128xf32>
    %get3A_115 = arith.constant 5 : index
    %get3A_116 = arith.constant 1 : index
    %get3A_117 = memref.load %arg5[%get3A_115, %get3A_116] : memref<13x2xf32, #tpu.memory_space<smem>>
    %mul3A_118 = vector.broadcast %get3A_117 : f32 to vector<1000x128xf32>
    %mul3A_119 = arith.mulf %mul3A_118, %dot_general3A_25 : vector<1000x128xf32>
    %add3A_120 = arith.addf %mul3A_114, %mul3A_119 : vector<1000x128xf32>
    %swap3A_121 = arith.constant 5 : index
    %swap3A_122 = arith.constant 0 : index
    %swap3A_123 = arith.constant 0 : index
    %swap3A_124 = vector.load %arg9[%swap3A_121, %swap3A_122, %swap3A_123] : memref<13x1000x128xf32, #tpu.memory_space<vmem>>, vector<1x1000x128xf32>
    %swap3A_125 = vector.shape_cast %swap3A_124 : vector<1x1000x128xf32> to vector<1000x128xf32>
    %swap3A_126 = vector.shape_cast %add3A_120 : vector<1000x128xf32> to vector<1x1000x128xf32>
    tpu.vector_store %arg9[%swap3A_121, %swap3A_122, %swap3A_123], %swap3A_126 {strides = array<i32>} : memref<13x1000x128xf32, #tpu.memory_space<vmem>>, vector<1x1000x128xf32>,
    %get3A_127 = arith.constant 6 : index
    %get3A_128 = arith.constant 0 : index
    %get3A_129 = memref.load %arg5[%get3A_127, %get3A_128] : memref<13x2xf32, #tpu.memory_space<smem>>
    %mul3A_130 = vector.broadcast %get3A_129 : f32 to vector<1000x128xf32>
    %mul3A_131 = arith.mulf %mul3A_130, %dot_general3A_18 : vector<1000x128xf32>
    %get3A_132 = arith.constant 6 : index
    %get3A_133 = arith.constant 1 : index
    %get3A_134 = memref.load %arg5[%get3A_132, %get3A_133] : memref<13x2xf32, #tpu.memory_space<smem>>
    %mul3A_135 = vector.broadcast %get3A_134 : f32 to vector<1000x128xf32>
    %mul3A_136 = arith.mulf %mul3A_135, %dot_general3A_25 : vector<1000x128xf32>
    %add3A_137 = arith.addf %mul3A_131, %mul3A_136 : vector<1000x128xf32>
    %swap3A_138 = arith.constant 6 : index
    %swap3A_139 = arith.constant 0 : index
    %swap3A_140 = arith.constant 0 : index
    %swap3A_141 = vector.load %arg9[%swap3A_138, %swap3A_139, %swap3A_140] : memref<13x1000x128xf32, #tpu.memory_space<vmem>>, vector<1x1000x128xf32>
    %swap3A_142 = vector.shape_cast %swap3A_141 : vector<1x1000x128xf32> to vector<1000x128xf32>
    %swap3A_143 = vector.shape_cast %add3A_137 : vector<1000x128xf32> to vector<1x1000x128xf32>
    tpu.vector_store %arg9[%swap3A_138, %swap3A_139, %swap3A_140], %swap3A_143 {strides = array<i32>} : memref<13x1000x128xf32, #tpu.memory_space<vmem>>, vector<1x1000x128xf32>,
    %get3A_144 = arith.constant 7 : index
    %get3A_145 = arith.constant 0 : index
    %get3A_146 = memref.load %arg5[%get3A_144, %get3A_145] : memref<13x2xf32, #tpu.memory_space<smem>>
    %mul3A_147 = vector.broadcast %get3A_146 : f32 to vector<1000x128xf32>
    %mul3A_148 = arith.mulf %mul3A_147, %dot_general3A_18 : vector<1000x128xf32>
    %get3A_149 = arith.constant 7 : index
    %get3A_150 = arith.constant 1 : index
    %get3A_151 = memref.load %arg5[%get3A_149, %get3A_150] : memref<13x2xf32, #tpu.memory_space<smem>>
    %mul3A_152 = vector.broadcast %get3A_151 : f32 to vector<1000x128xf32>
    %mul3A_153 = arith.mulf %mul3A_152, %dot_general3A_25 : vector<1000x128xf32>
    %add3A_154 = arith.addf %mul3A_148, %mul3A_153 : vector<1000x128xf32>
    %swap3A_155 = arith.constant 7 : index
    %swap3A_156 = arith.constant 0 : index
    %swap3A_157 = arith.constant 0 : index
    %swap3A_158 = vector.load %arg9[%swap3A_155, %swap3A_156, %swap3A_157] : memref<13x1000x128xf32, #tpu.memory_space<vmem>>, vector<1x1000x128xf32>
    %swap3A_159 = vector.shape_cast %swap3A_158 : vector<1x1000x128xf32> to vector<1000x128xf32>
    %swap3A_160 = vector.shape_cast %add3A_154 : vector<1000x128xf32> to vector<1x1000x128xf32>
    tpu.vector_store %arg9[%swap3A_155, %swap3A_156, %swap3A_157], %swap3A_160 {strides = array<i32>} : memref<13x1000x128xf32, #tpu.memory_space<vmem>>, vector<1x1000x128xf32>,
    %get3A_161 = arith.constant 8 : index
    %get3A_162 = arith.constant 0 : index
    %get3A_163 = memref.load %arg5[%get3A_161, %get3A_162] : memref<13x2xf32, #tpu.memory_space<smem>>
    %mul3A_164 = vector.broadcast %get3A_163 : f32 to vector<1000x128xf32>
    %mul3A_165 = arith.mulf %mul3A_164, %dot_general3A_18 : vector<1000x128xf32>
    %get3A_166 = arith.constant 8 : index
    %get3A_167 = arith.constant 1 : index
    %get3A_168 = memref.load %arg5[%get3A_166, %get3A_167] : memref<13x2xf32, #tpu.memory_space<smem>>
    %mul3A_169 = vector.broadcast %get3A_168 : f32 to vector<1000x128xf32>
    %mul3A_170 = arith.mulf %mul3A_169, %dot_general3A_25 : vector<1000x128xf32>
    %add3A_171 = arith.addf %mul3A_165, %mul3A_170 : vector<1000x128xf32>
    %swap3A_172 = arith.constant 8 : index
    %swap3A_173 = arith.constant 0 : index
    %swap3A_174 = arith.constant 0 : index
    %swap3A_175 = vector.load %arg9[%swap3A_172, %swap3A_173, %swap3A_174] : memref<13x1000x128xf32, #tpu.memory_space<vmem>>, vector<1x1000x128xf32>
    %swap3A_176 = vector.shape_cast %swap3A_175 : vector<1x1000x128xf32> to vector<1000x128xf32>
    %swap3A_177 = vector.shape_cast %add3A_171 : vector<1000x128xf32> to vector<1x1000x128xf32>
    tpu.vector_store %arg9[%swap3A_172, %swap3A_173, %swap3A_174], %swap3A_177 {strides = array<i32>} : memref<13x1000x128xf32, #tpu.memory_space<vmem>>, vector<1x1000x128xf32>,
    %get3A_178 = arith.constant 9 : index
    %get3A_179 = arith.constant 0 : index
    %get3A_180 = memref.load %arg5[%get3A_178, %get3A_179] : memref<13x2xf32, #tpu.memory_space<smem>>
    %mul3A_181 = vector.broadcast %get3A_180 : f32 to vector<1000x128xf32>
    %mul3A_182 = arith.mulf %mul3A_181, %dot_general3A_18 : vector<1000x128xf32>
    %get3A_183 = arith.constant 9 : index
    %get3A_184 = arith.constant 1 : index
    %get3A_185 = memref.load %arg5[%get3A_183, %get3A_184] : memref<13x2xf32, #tpu.memory_space<smem>>
    %mul3A_186 = vector.broadcast %get3A_185 : f32 to vector<1000x128xf32>
    %mul3A_187 = arith.mulf %mul3A_186, %dot_general3A_25 : vector<1000x128xf32>
    %add3A_188 = arith.addf %mul3A_182, %mul3A_187 : vector<1000x128xf32>
    %swap3A_189 = arith.constant 9 : index
    %swap3A_190 = arith.constant 0 : index
    %swap3A_191 = arith.constant 0 : index
    %swap3A_192 = vector.load %arg9[%swap3A_189, %swap3A_190, %swap3A_191] : memref<13x1000x128xf32, #tpu.memory_space<vmem>>, vector<1x1000x128xf32>
    %swap3A_193 = vector.shape_cast %swap3A_192 : vector<1x1000x128xf32> to vector<1000x128xf32>
    %swap3A_194 = vector.shape_cast %add3A_188 : vector<1000x128xf32> to vector<1x1000x128xf32>
    tpu.vector_store %arg9[%swap3A_189, %swap3A_190, %swap3A_191], %swap3A_194 {strides = array<i32>} : memref<13x1000x128xf32, #tpu.memory_space<vmem>>, vector<1x1000x128xf32>,
    %get3A_195 = arith.constant 10 : index
    %get3A_196 = arith.constant 0 : index
    %get3A_197 = memref.load %arg5[%get3A_195, %get3A_196] : memref<13x2xf32, #tpu.memory_space<smem>>
    %mul3A_198 = vector.broadcast %get3A_197 : f32 to vector<1000x128xf32>
    %mul3A_199 = arith.mulf %mul3A_198, %dot_general3A_18 : vector<1000x128xf32>
    %get3A_200 = arith.constant 10 : index
    %get3A_201 = arith.constant 1 : index
    %get3A_202 = memref.load %arg5[%get3A_200, %get3A_201] : memref<13x2xf32, #tpu.memory_space<smem>>
    %mul3A_203 = vector.broadcast %get3A_202 : f32 to vector<1000x128xf32>
    %mul3A_204 = arith.mulf %mul3A_203, %dot_general3A_25 : vector<1000x128xf32>
    %add3A_205 = arith.addf %mul3A_199, %mul3A_204 : vector<1000x128xf32>
    %swap3A_206 = arith.constant 10 : index
    %swap3A_207 = arith.constant 0 : index
    %swap3A_208 = arith.constant 0 : index
    %swap3A_209 = vector.load %arg9[%swap3A_206, %swap3A_207, %swap3A_208] : memref<13x1000x128xf32, #tpu.memory_space<vmem>>, vector<1x1000x128xf32>
    %swap3A_210 = vector.shape_cast %swap3A_209 : vector<1x1000x128xf32> to vector<1000x128xf32>
    %swap3A_211 = vector.shape_cast %add3A_205 : vector<1000x128xf32> to vector<1x1000x128xf32>
    tpu.vector_store %arg9[%swap3A_206, %swap3A_207, %swap3A_208], %swap3A_211 {strides = array<i32>} : memref<13x1000x128xf32, #tpu.memory_space<vmem>>, vector<1x1000x128xf32>,
    %get3A_212 = arith.constant 11 : index
    %get3A_213 = arith.constant 0 : index
    %get3A_214 = memref.load %arg5[%get3A_212, %get3A_213] : memref<13x2xf32, #tpu.memory_space<smem>>
    %mul3A_215 = vector.broadcast %get3A_214 : f32 to vector<1000x128xf32>
    %mul3A_216 = arith.mulf %mul3A_215, %dot_general3A_18 : vector<1000x128xf32>
    %get3A_217 = arith.constant 11 : index
    %get3A_218 = arith.constant 1 : index
    %get3A_219 = memref.load %arg5[%get3A_217, %get3A_218] : memref<13x2xf32, #tpu.memory_space<smem>>
    %mul3A_220 = vector.broadcast %get3A_219 : f32 to vector<1000x128xf32>
    %mul3A_221 = arith.mulf %mul3A_220, %dot_general3A_25 : vector<1000x128xf32>
    %add3A_222 = arith.addf %mul3A_216, %mul3A_221 : vector<1000x128xf32>
    %swap3A_223 = arith.constant 11 : index
    %swap3A_224 = arith.constant 0 : index
    %swap3A_225 = arith.constant 0 : index
    %swap3A_226 = vector.load %arg9[%swap3A_223, %swap3A_224, %swap3A_225] : memref<13x1000x128xf32, #tpu.memory_space<vmem>>, vector<1x1000x128xf32>
    %swap3A_227 = vector.shape_cast %swap3A_226 : vector<1x1000x128xf32> to vector<1000x128xf32>
    %swap3A_228 = vector.shape_cast %add3A_222 : vector<1000x128xf32> to vector<1x1000x128xf32>
    tpu.vector_store %arg9[%swap3A_223, %swap3A_224, %swap3A_225], %swap3A_228 {strides = array<i32>} : memref<13x1000x128xf32, #tpu.memory_space<vmem>>, vector<1x1000x128xf32>,
    %get3A_229 = arith.constant 12 : index
    %get3A_230 = arith.constant 0 : index
    %get3A_231 = memref.load %arg5[%get3A_229, %get3A_230] : memref<13x2xf32, #tpu.memory_space<smem>>
    %mul3A_232 = vector.broadcast %get3A_231 : f32 to vector<1000x128xf32>
    %mul3A_233 = arith.mulf %mul3A_232, %dot_general3A_18 : vector<1000x128xf32>
    %get3A_234 = arith.constant 12 : index
    %get3A_235 = arith.constant 1 : index
    %get3A_236 = memref.load %arg5[%get3A_234, %get3A_235] : memref<13x2xf32, #tpu.memory_space<smem>>
    %mul3A_237 = vector.broadcast %get3A_236 : f32 to vector<1000x128xf32>
    %mul3A_238 = arith.mulf %mul3A_237, %dot_general3A_25 : vector<1000x128xf32>
    %add3A_239 = arith.addf %mul3A_233, %mul3A_238 : vector<1000x128xf32>
    %swap3A_240 = arith.constant 12 : index
    %swap3A_241 = arith.constant 0 : index
    %swap3A_242 = arith.constant 0 : index
    %swap3A_243 = vector.load %arg9[%swap3A_240, %swap3A_241, %swap3A_242] : memref<13x1000x128xf32, #tpu.memory_space<vmem>>, vector<1x1000x128xf32>
    %swap3A_244 = vector.shape_cast %swap3A_243 : vector<1x1000x128xf32> to vector<1000x128xf32>
    %swap3A_245 = vector.shape_cast %add3A_239 : vector<1000x128xf32> to vector<1x1000x128xf32>
    tpu.vector_store %arg9[%swap3A_240, %swap3A_241, %swap3A_242], %swap3A_245 {strides = array<i32>} : memref<13x1000x128xf32, #tpu.memory_space<vmem>>, vector<1x1000x128xf32>,
    %get3A_246 = arith.constant 0 : index
    %get3A_247 = arith.constant 0 : index
    %get3A_248 = vector.load %arg7[%get3A_246, %get3A_247] : memref<128x128xi32, #tpu.memory_space<vmem>>, vector<128x128xi32>
    %mul3A_249 = arith.constant 10000 : i32
    %mul3A_250 = vector.broadcast %mul3A_249 : i32 to vector<128x128xi32>
    %mul3A_251 = arith.muli %get3A_248, %mul3A_250 : vector<128x128xi32>
    %get3A_252 = arith.constant 0 : index
    %get3A_253 = arith.constant 0 : index
    %get3A_254 = vector.load %arg6[%get3A_252, %get3A_253] : memref<128x128xi32, #tpu.memory_space<vmem>>, vector<128x128xi32>
    %add3A_255 = arith.addi %mul3A_251, %get3A_254 : vector<128x128xi32>
    %swap3A_256 = arith.constant 0 : index
    %swap3A_257 = arith.constant 0 : index
    %swap3A_258 = vector.load %arg10[%swap3A_256, %swap3A_257] : memref<128x128xi32, #tpu.memory_space<vmem>>, vector<128x128xi32>
    tpu.vector_store %arg10[%swap3A_256, %swap3A_257], %add3A_255 {strides = array<i32>} : memref<128x128xi32, #tpu.memory_space<vmem>>, vector<128x128xi32>,
    return
  }
  func.func @transform_0(%arg0: i32) -> (i32, i32) {
    %c0_i32 = arith.constant 0 : i32
    %c0_i32_0 = arith.constant 0 : i32
    return %arg0, %c0_i32 : i32, i32
  }
  func.func @transform_1(%arg0: i32) -> (i32, i32) {
    %c0_i32 = arith.constant 0 : i32
    %c0_i32_0 = arith.constant 0 : i32
    %c0_i32_1 = arith.constant 0 : i32
    return %c0_i32, %c0_i32_0 : i32, i32
  }
  func.func @transform_2(%arg0: i32) -> (i32, i32) {
    %c0_i32 = arith.constant 0 : i32
    %c0_i32_0 = arith.constant 0 : i32
    %c0_i32_1 = arith.constant 0 : i32
    return %c0_i32, %c0_i32_0 : i32, i32
  }
  func.func @transform_3(%arg0: i32) -> (i32, i32, i32) {
    %c0_i32 = arith.constant 0 : i32
    %c0_i32_0 = arith.constant 0 : i32
    %c0_i32_1 = arith.constant 0 : i32
    %c0_i32_2 = arith.constant 0 : i32
    return %c0_i32, %c0_i32_0, %c0_i32_1 : i32, i32, i32
  }
  func.func @transform_4(%arg0: i32) -> (i32, i32) {
    %c0_i32 = arith.constant 0 : i32
    %c0_i32_0 = arith.constant 0 : i32
    %c0_i32_1 = arith.constant 0 : i32
    return %c0_i32, %c0_i32_0 : i32, i32
  }
  func.func @transform_5(%arg0: i32) -> (i32, i32) {
    %c0_i32 = arith.constant 0 : i32
    %c0_i32_0 = arith.constant 0 : i32
    return %arg0, %c0_i32 : i32, i32
  }
  func.func @transform_6(%arg0: i32) -> (i32, i32) {
    %c0_i32 = arith.constant 0 : i32
    %c0_i32_0 = arith.constant 0 : i32
    return %arg0, %c0_i32 : i32, i32
  }
  func.func @transform_7(%arg0: i32) -> (i32, i32) {
    %c0_i32 = arith.constant 0 : i32
    %c0_i32_0 = arith.constant 0 : i32
    return %arg0, %c0_i32 : i32, i32
  }
  func.func @transform_8(%arg0: i32) -> (i32, i32, i32) {
    %c0_i32 = arith.constant 0 : i32
    %c0_i32_0 = arith.constant 0 : i32
    %c0_i32_1 = arith.constant 0 : i32
    return %c0_i32, %arg0, %c0_i32_0 : i32, i32, i32
  }
  func.func @transform_9(%arg0: i32) -> (i32, i32) {
    %c0_i32 = arith.constant 0 : i32
    %c0_i32_0 = arith.constant 0 : i32
    return %arg0, %c0_i32 : i32, i32
  }
}

module attributes {stable_mosaic.version = 14 : i64} {
  func.func @_combine_body(%arg0: i32, %arg1: memref<1000x128xf32, #tpu.memory_space<vmem>>, %arg2: memref<2x1000x128xf32, #tpu.memory_space<vmem>>, %arg3: memref<1000x128xf32, #tpu.memory_space<vmem>>) attributes {dimension_semantics = [#tpu.dimension_semantics<arbitrary>], iteration_bounds = array<i64: 10>, scalar_prefetch = 0 : i64, scratch_operands = 0 : i64, tpu.core_type = #tpu.core_type<tc>, window_params = [{transform_indices = @transform_0, window_bounds = array<i64: 1000, 128>}, {transform_indices = @transform_1, window_bounds = array<i64: 2, 1000, 128>}, {transform_indices = @transform_2, window_bounds = array<i64: 1000, 128>}]} {
    %get3A = arith.constant 0 : index
    %get3A_0 = arith.constant 0 : index
    %get3A_1 = vector.load %arg1[%get3A, %get3A_0] : memref<1000x128xf32, #tpu.memory_space<vmem>>, vector<1000x128xf32>
    %get3A_2 = arith.constant 0 : index
    %get3A_3 = arith.constant 0 : index
    %get3A_4 = arith.constant 0 : index
    %get3A_5 = vector.load %arg2[%get3A_2, %get3A_3, %get3A_4] : memref<2x1000x128xf32, #tpu.memory_space<vmem>>, vector<1x1000x128xf32>
    %get3A_6 = vector.shape_cast %get3A_5 : vector<1x1000x128xf32> to vector<1000x128xf32>
    %add3A = arith.addf %get3A_1, %get3A_6 : vector<1000x128xf32>
    %get3A_7 = arith.constant 1 : index
    %get3A_8 = arith.constant 0 : index
    %get3A_9 = arith.constant 0 : index
    %get3A_10 = vector.load %arg2[%get3A_7, %get3A_8, %get3A_9] : memref<2x1000x128xf32, #tpu.memory_space<vmem>>, vector<1x1000x128xf32>
    %get3A_11 = vector.shape_cast %get3A_10 : vector<1x1000x128xf32> to vector<1000x128xf32>
    %add3A_12 = arith.addf %add3A, %get3A_11 : vector<1000x128xf32>
    %max3A = arith.constant 0.000000e+00 : f32
    %max3A_13 = vector.broadcast %max3A : f32 to vector<1000x128xf32>
    %max3A_14 = arith.maximumf %add3A_12, %max3A_13 : vector<1000x128xf32>
    %swap3A = arith.constant 0 : index
    %swap3A_15 = arith.constant 0 : index
    %swap3A_16 = vector.load %arg3[%swap3A, %swap3A_15] : memref<1000x128xf32, #tpu.memory_space<vmem>>, vector<1000x128xf32>
    tpu.vector_store %arg3[%swap3A, %swap3A_15], %max3A_14 {strides = array<i32>} : memref<1000x128xf32, #tpu.memory_space<vmem>>, vector<1000x128xf32>,
    return
  }
  func.func @transform_0(%arg0: i32) -> (i32, i32) {
    %c0_i32 = arith.constant 0 : i32
    %c0_i32_0 = arith.constant 0 : i32
    return %arg0, %c0_i32 : i32, i32
  }
  func.func @transform_1(%arg0: i32) -> (i32, i32, i32) {
    %c0_i32 = arith.constant 0 : i32
    %c0_i32_0 = arith.constant 0 : i32
    %c0_i32_1 = arith.constant 0 : i32
    return %c0_i32, %arg0, %c0_i32_0 : i32, i32, i32
  }
  func.func @transform_2(%arg0: i32) -> (i32, i32) {
    %c0_i32 = arith.constant 0 : i32
    %c0_i32_0 = arith.constant 0 : i32
    return %arg0, %c0_i32 : i32, i32
  }
}

</mosaic_0001>

<sc_bundles>
// kernel: kernel.5.cloned.1.call-start
scs
__scs_entry_jumppad:
0x0: {  	(pc) =	sbr.rel $0x88, $3  }
0x1: {  	(tag) =	ssettag $0x0;
	lr =	simm.s32 $0x1  }
0x2: {  	[smem:$0x3F9A] =	sst lr;
	_ =	strace $0xD0000000  }
0x3: {  	_ = 	snop  }
0x4: {  	_ = 	snop  }
0x5: {  	_ = 	snop  }
0x6: {  	_ = 	snop  }
0x7: {  	_ = 	snop  }
__scs_overlays_trampoline_lowered:
0x8: {  	[smem:$0x3FA9] =	sst s0  }
0x9: {  	[smem:$0x3FAA] =	sst s1  }
0xa: {  	[smem:$0x3FAB] =	sst s2  }
0xb: {  	[smem:$0x3FAC] =	sst s3  }
0xc: {  	[smem:$0x3FAD] =	sst s4  }
0xd: {  	[smem:$0x3FAE] =	sst s5  }
0xe: {  	[smem:$0x3FAF] =	sst s6  }
0xf: {  	[smem:$0x3FB0] =	sst s7  }
0x10: {  	[smem:$0x3FB1] =	sst s8  }
0x11: {  	[smem:$0x3FB2] =	sst s9;
	s0 =	simm.s32 @!p0 $0x0  }
0x12: {  	s1 =	sld [smem:$0x3F98];
	s0 =	simm.s32 @p0 $0x1  }
0x13: {  	[smem:$0x3FB3] =	sst s0;
	s0 =	simm.s32 @!p1 $0x0  }
0x14: {  	s2 =	sld [smem:$0x3F97];
	s0 =	simm.s32 @p1 $0x1  }
0x15: {  	[smem:$0x3FB4] =	sst s0;
	s0 =	simm.s32 @!p2 $0x0  }
0x16: {  	s3 =	sld [smem:$0x3FDB];
	s0 =	simm.s32 @p2 $0x1  }
0x17: {  	s4 =	simm.s32 $0x1BF5;
	[smem:$0x3FB6] =	sst s0  }
0x18: {  	s0 =	sld [smem:$0x3F99];
	_ =	swait.ge [sflag:s4], $0x0  }
0x19: {  	s7 =	sld [smem:$0x3F9A]  }
0x1a: {  	s8 =	sadd.s32 $0xFFFFE003, lr  }
0x1b: {  	s9 =	sadd.s32 $0xFFFFFEF7, lr;
	s5 =	simm.s32 $0xFFFFFFFF;
	p2 =	slt.u32 s8, $0xFFFFF086  }
0x1c: {  	p1 =	slt.u32 s9, $0xF7A;
	s5 =	simm.s32 @!p2 $0x0  }
0x1d: {  	s5 =	simm.s32 @p1 $0x1;
	p0 =	seq.s32 s7, s2  }
0x1e: {  	s7 =	smul.u32 @!p0 $0xF7A, s2;
	p2 =	seq.s32 @!p0 s5, $0x0  }
0x1f: {  	s9 =	smul.u32 $0xF7A, s1;
	s8 =	simm.s32 @!p0 $0x1BF5;
	p2 =	por !p2, p0  }
0x20: {  	[sflag:s8] =	ssyncset.s32 @!p0 $0xFFFFF086;
	s6 =	sadd.s32 @!p0 s3, s7;
	s7 =	simm.s32 @!p0 $0x108  }
0x21: {  	s3 =	sadd.s32 s3, s9;
	s6 =	sadd.s32 @!p0 $0x88, s6;
	s7 =	simm.s32 @p2 $0x1082  }
0x22: {  	[simem:s7], [sflag:s8] =	dma.local @!p0 [hbm:s6], $0xF7A  }
0x23: {  	s9 =	sor.u32 $0xD0000000, s2;
	s6 =	simm.s32 $0x108;
	_ =	swait.ge @!p0 [sflag:s8], $0x0  }
0x24: {  	s3 =	sadd.s32 $0x88, s3;
	s6 =	simm.s32 @!p1 $0x1082;
	[sflag:s4] =	ssyncset.s32 $0xFFFFF086  }
0x25: {  	[simem:s6], [sflag:s4] =	dma.local [hbm:s3], $0xF7A  }
0x26: {  	[smem:$0x3F9A] =	sst s1;
	(tag) =	ssettag s2;
	_ =	strace s9  }
0x27: {  	s1 =	sld [smem:$0x3FAA]  }
0x28: {  	s2 =	sld [smem:$0x3FAB]  }
0x29: {  	s4 =	sld [smem:$0x3FAD]  }
0x2a: {  	p0 =	seq.s32 s5, $0x0;
	s5 =	sld [smem:$0x3FAE]  }
0x2b: {  	s6 =	sld [smem:$0x3FAF]  }
0x2c: {  	s7 =	sld [smem:$0x3FB0]  }
0x2d: {  	s3 =	simm.s32 $0x108;
	s8 =	sld [smem:$0x3FB1]  }
0x2e: {  	s3 =	simm.s32 @!p0 $0x1082;
	s9 =	sld [smem:$0x3FB2]  }
0x2f: {  	lr =	sadd.s32 s0, s3;
	s0 =	sld [smem:$0x3FA9]  }
0x30: {  	s3 =	sld [smem:$0x3FAC]  }
0x31: {  	[smem:$0x3FB5] =	sst s10  }
0x32: {  	s10 =	sld [smem:$0x3FB3];
	_ =	sdelay $0x3  }
0x33: {  	p0 =	seq.s32 s10, $0x1;
	s10 =	sld [smem:$0x3FB5];
	_ =	sdelay $0x3  }
0x34: {  	[smem:$0x3FB5] =	sst s10  }
0x35: {  	s10 =	sld [smem:$0x3FB4];
	_ =	sdelay $0x3  }
0x36: {  	p1 =	seq.s32 s10, $0x1;
	s10 =	sld [smem:$0x3FB5];
	_ =	sdelay $0x3  }
0x37: {  	[smem:$0x3FB5] =	sst s10  }
0x38: {  	s10 =	sld [smem:$0x3FB6]  }
0x39: {  	_ = 	snop;
	(pc) =	sbr.ind lr, $3  }
0x3a: {  	_ = 	snop  }
0x3b: {  	_ = 	snop  }
0x3c: {  	p2 =	seq.s32 s10, $0x1;
	s10 =	sld [smem:$0x3FB5]  }
0x3d: {  	_ =	shalt  }
0x3e: {  	_ =	shalt  }
0x3f: {  	_ =	shalt  }
0x40: {  	_ =	shalt  }
0x41: {  	_ =	shalt  }
0x42: {  	_ =	shalt  }
0x43: {  	_ =	shalt  }
0x44: {  	_ =	shalt  }
0x45: {  	_ =	shalt  }
0x46: {  	_ =	shalt  }
0x47: {  	_ =	shalt  }
0x48: {  	_ =	shalt  }
0x49: {  	_ =	shalt  }
0x4a: {  	_ =	shalt  }
0x4b: {  	_ =	shalt  }
0x4c: {  	_ =	shalt  }
0x4d: {  	_ =	shalt  }
0x4e: {  	_ =	shalt  }
0x4f: {  	_ =	shalt  }
0x50: {  	_ =	shalt  }
0x51: {  	_ =	shalt  }
0x52: {  	_ =	shalt  }
0x53: {  	_ =	shalt  }
0x54: {  	_ =	shalt  }
0x55: {  	_ =	shalt  }
0x56: {  	_ =	shalt  }
0x57: {  	_ =	shalt  }
0x58: {  	_ =	shalt  }
0x59: {  	_ =	shalt  }
0x5a: {  	_ =	shalt  }
0x5b: {  	_ =	shalt  }
0x5c: {  	_ =	shalt  }
0x5d: {  	_ =	shalt  }
0x5e: {  	_ =	shalt  }
0x5f: {  	_ =	shalt  }
0x60: {  	_ =	shalt  }
0x61: {  	_ =	shalt  }
0x62: {  	_ =	shalt  }
0x63: {  	_ =	shalt  }
0x64: {  	_ =	shalt  }
0x65: {  	_ =	shalt  }
0x66: {  	_ =	shalt  }
0x67: {  	_ =	shalt  }
0x68: {  	_ =	shalt  }
0x69: {  	_ =	shalt  }
0x6a: {  	_ =	shalt  }
0x6b: {  	_ =	shalt  }
0x6c: {  	_ =	shalt  }
0x6d: {  	_ =	shalt  }
0x6e: {  	_ =	shalt  }
0x6f: {  	_ =	shalt  }
0x70: {  	_ =	shalt  }
0x71: {  	_ =	shalt  }
0x72: {  	_ =	shalt  }
0x73: {  	_ =	shalt  }
0x74: {  	_ =	shalt  }
0x75: {  	_ =	shalt  }
0x76: {  	_ =	shalt  }
0x77: {  	_ =	shalt  }
0x78: {  	_ =	shalt  }
0x79: {  	_ =	shalt  }
0x7a: {  	_ =	shalt  }
0x7b: {  	_ =	shalt  }
0x7c: {  	_ =	shalt  }
0x7d: {  	_ =	shalt  }
0x7e: {  	_ =	shalt  }
0x7f: {  	_ =	shalt  }
0x80: {  	_ =	shalt  }
0x81: {  	_ =	shalt  }
0x82: {  	_ =	shalt  }
0x83: {  	_ =	shalt  }
0x84: {  	_ =	shalt  }
0x85: {  	_ =	shalt  }
0x86: {  	_ =	shalt  }
0x87: {  	_ =	shalt  }
.Lfunc_end0:
.L_simem_size_0:
called_computation_lowered:
.L_overlay_start_0:
0x88: {  	s2 =	sld [smem:$0x3FD9]  }
0x89: {  	s3 =	sld [smem:$0x3FFE];
	_ =	sdelay $0x1  }
0x8a: {  	s1 =	srdreg.scid  }
0x8b: {  	s0 =	sand.u32 $0x1, s1  }
0x8c: {  	s17 =	sshll.u32 s0, $0xA;
	s2 =	sadd.s32 s3, s2  }
0x8d: {  	s2 =	sadd.s32 s2, s17  }
0x8e: {  	[smem:$0x3FC1] =	sst s2  }
0x8f: {  	_ = 	snop  }
0x90: {  	s2 =	sld [smem:$0x3FD0];
	(tm) =	ssettm $0x1  }
0x91: {  	s18 =	sld [smem:$0x3FFB];
	_ =	sdelay $0x3  }
0x92: {  	_ =	strace s18  }
0x93: {  	s3 =	sld [smem:$0x3FFC];
	_ =	sdelay $0x3  }
0x94: {  	_ =	strace s3  }
0x95: {  	s3 =	sld [smem:$0x3FFD];
	_ =	sdelay $0x3  }
0x96: {  	_ =	strace s3  }
0x97: {  	_ =	strace $0x8FFFFFFF  }
0x98: {  	s19 =	sld [smem:$0x3FDB];
	_ =	sdelay $0x1  }
0x99: {  	s4 =	simm.s32 $_scs_section_size  }
0x9a: {  	s5 =	simm.s32 $_size__tile_overlayer_lowered;
	s6 =	simm.s32 $_tile_overlayer_lowered  }
0x9b: {  	s22 =	simm.s32 $0x1BFF;
	s21 =	sshll.u32 s6, $0x1;
	s3 =	sadd.s32 s4, s19  }
0x9c: {  	s7 =	simm.s32 $0x0;
	s20 =	sshll.u32 s5, $0x1;
	s5 =	sadd.s32 s21, s3  }
0x9d: {  	[timem:s7], [sflag:s22] =	dma.local [hbm:s5], s20  }
0x9e: {  	_ =	swait.ge [sflag:s22], s20  }
0x9f: {  	s4 =	ssub.s32 $0x0, s20;
	[sflag:s22] =	ssyncset.done $0x0  }
0xa0: {  	[sflag:s22] =	ssyncadd.s32 s4;
	_ =	sdelay $0x1  }
0xa1: {  	s23 =	simm.s32 $0x1B8B  }
0xa2: {  	_ =	swait.ge [sflag:s23], $0x1  }
0xa3: {  	[sflag:s23] =	ssyncset.done $0x0  }
0xa4: {  	s25 =	simm.s32 $0x1B8E;
	s24 =	sld [smem:$0x3FFE];
	[sflag:s23] =	ssyncadd.s32 $0xFFFFFFFF  }
0xa5: {  	s26 =	simm.s32 $execute0_lowered;
	[smem:$0x3FD2] =	sst s25  }
0xa6: {  	s5 =	sshll.u32 s26, $0x1;
	_ =	strace $0x80000046;
	[dreg:$0x1] =	wrdreg $0xFFFFFFFF  }
0xa7: {  	s28 =	simm.s32 $_size_execute0_lowered;
	s3 =	sadd.s32 s3, s5;
	[dreg:$0x0] =	wrdreg $0x0  }
0xa8: {  	s5 =	sshll.u32 s28, $0x1;
	[dreg:$0x2] =	wrdreg s3  }
0xa9: {  	[dreg:$0x3] =	wrdreg s5  }
0xaa: {  	[dreg:$0x4] =	wrdreg $0xC0  }
0xab: {  	_ =	task [dreg:s7], $0x5FFFF  }
0xac: {  	[dreg:$0x1] =	wrdreg $0xFFFFFFFF  }
0xad: {  	[dreg:$0x0] =	wrdreg $0x60  }
0xae: {  	[dreg:$0x2] =	wrdreg s24  }
0xaf: {  	[dreg:$0x3] =	wrdreg s2  }
0xb0: {  	[dreg:$0x4] =	wrdreg $0x84000  }
0xb1: {  	[dreg:$0x5] =	wrdreg $0x9  }
0xb2: {  	_ =	task.clear_ibuf [dreg:s7], $0x6FFFF;
	_ =	strace $0x90000046  }
0xb3: {  	s29 =	simm.s32 $0x9;
	_ =	strace $0x80000048  }
0xb4: {  	_ =	swait.ge [sflag:s29], $0x1  }
0xb5: {  	[sflag:s29] =	ssyncadd.s32 $0xFFFFFFFF  }
0xb6: {  	_ =	strace $0x90000048  }
0xb7: {  	_ =	sfence  }
0xb8: {  	s30 =	sld [smem:$0x0];
	_ =	sdelay $0x2  }
0xb9: {  	s31 =	sshll.u32 s1, $0xD;
	s1 =	sshrl.u32 s1, $0x2  }
0xba: {  	s3 =	sand.u32 $0x4000, s31;
	s1 =	sadd.s32 s1, s30  }
0xbb: {  	s0 =	sor.u32 s3, s0;
	s1 =	sshll.u32 s1, $0x11  }
0xbc: {  	s0 =	sor.u32 s1, s0  }
0xbd: {  	s0 =	sadd.s32 $0x8F2B, s0  }
0xbe: {  	[sflag:s0] =	ssyncadd.remote.s32 $0x1  }
0xbf: {  	_ =	sfence.sel $0xFFFF  }
0xc0: {  	[dreg:$0x0] =	wrdreg $0xFFFFFFFF;
	(pc) =	sbr.abs _section_cstart, $3  }
0xc1: {  	[dreg:$0x1] =	wrdreg $0xFFFFFFFF  }
0xc2: {  	_ =	task.clear_ibuf [dreg:s7], $0x2FFFF;
	_ =	strace $0x9FFFFFFF  }
0xc3: {  	(tm) =	ssettm $0x7FFFFFFF  }
tec
execute0_lowered:
.L_overlay_start_1:
0x0: {  	(tag) =	ssettag $0x1  }
0x1: {  	s0 =	rddreg [dreg:$0x0]  }
0x2: {  	s1 =	rddreg [dreg:$0x1]  }
0x3: {  	s2 =	rddreg [dreg:$0x2]  }
0x4: {  	s4 =	simm.s32 $0x0;
	s3 =	srdreg.scid;
	s6 =	stileid.u32  }
0x5: {  	s30 =	simm.s32 $0x80;
	[smem:$0x7FF] =	sst s4;
	s7 =	smul.u32 $0x4F000, s6  }
0x6: {  	s5 =	sadd.s32 $0xC00, s0;
	s12 =	sadd.s32 $0x1FCA00, s0;
	s11 =	smul.u32 $0x13800, s6  }
0x7: {  	s3 =	sand.u32 $0x1, s3;
	s0 =	sadd.s32 $0x201A00, s0;
	s26 =	smul.u32 $0x4E000, s6  }
0x8: {  	s31 =	smul.u32 $0x280, s6;
	p0 =	seq.s32 s6, $0xF;
	_ =	strace $0x80000047  }
0x9: {  	s8 =	ssub.s32 $0x2, s3;
	s10 =	sshll.u32 s3, $0x4;
	s19 =	smul.u32 $0x138800, s3  }
0xa: {  	s3 =	smul.u32 $0x2800, s3;
	[dreg:$0x12] =	wrdreg s12;
	s9 =	sshrl.u32 s8, $0x1  }
0xb: {  	s7 =	sshrl.u32 s7, $0x2;
	s15 =	sor.u32 s6, s10;
	s29 =	sshrl.u32 s26, $0x2  }
0xc: {  	s26 =	simm.s32 $0x400;
	s8 =	ssub.s32 s8, s9;
	s14 =	sadd.s32 s7, s2  }
0xd: {  	s7 =	smul.u32 $0x280, s15;
	s24 =	sadd.s32 s11, s19;
	s28 =	sshrl.u32 s19, $0x3  }
0xe: {  	s3 =	sadd.s32 s31, s3;
	s11 =	simm.s32 $0x180;
	s15 =	simm.s32 $0xA  }
0xf: {  	s19 =	simm.s32 $0x7;
	s16 =	sadd.s32 $0x4000, s14;
	[dreg:$0x4] =	wrdreg s14  }
0x10: {  	s17 =	sadd.s32 $0x8000, s14;
	s18 =	sadd.s32 $0xC000, s14;
	[dreg:$0x5] =	wrdreg s16  }
0x11: {  	s9 =	sadd.s32 $0x10000, s14;
	s25 =	sshrl.u32 s24, $0x3;
	[dreg:$0x6] =	wrdreg s17  }
0x12: {  	s8 =	smax.u32 s8, $0x1;
	s14 =	simm.s32 $0x4400;
	[dreg:$0x7] =	wrdreg s18  }
0x13: {  	s24 =	simm.s32 $0x8;
	[dreg:$0x8] =	wrdreg s9;
	s20 =	sadd.s32 s12, s7  }
0x14: {  	s21 =	sor.u32 $0x10, s7;
	s13 =	sadd.s32 s1, s7;
	s7 =	sor.u32 $0x20, s7  }
0x15: {  	s9 =	sadd.s32 s29, s2;
	[dreg:$0x11] =	wrdreg s8;
	s8 =	simm.s32 $0x1  }
0x16: {  	s16 =	simm.s32 $0x6;
	s17 =	simm.s32 $0xB;
	[dreg:$0x9] =	wrdreg s20  }
0x17: {  	s18 =	simm.s32 $0x3;
	[dreg:$0xa] =	wrdreg s13;
	s22 =	sadd.s32 s12, s21  }
0x18: {  	s10 =	sadd.s32 s1, s21;
	s23 =	sadd.s32 s12, s7;
	[dreg:$0xb] =	wrdreg s22  }
0x19: {  	s7 =	sadd.s32 s1, s7;
	s21 =	smov.u32 s3;
	[dreg:$0xc] =	wrdreg s10  }
0x1a: {  	s13 =	simm.s32 $0x2;
	s20 =	simm.s32 $0x4;
	[dreg:$0xd] =	wrdreg s23  }
0x1b: {  	[dreg:$0xe] =	wrdreg s7;
	s7 =	sadd.s32 s0, s25;
	s0 =	sadd.s32 s0, s28  }
0x1c: {  	s22 =	sadd.s32 s12, s3;
	s23 =	sadd.s32 s1, s3;
	s3 =	simm.s32 $0x300  }
.Ltmp0:
0x1d: {  	s10 =	simm.s32 $0x5;
	s0 =	sadd.s32 $0x24900, s0;
	(pc) =	sbr.rel .LBB2_1-.Ltmp0, $4  }
0x1e: {  	s12 =	simm.s32 $0x380;
	[dreg:$0x10] =	wrdreg s0;
	s0 =	sadd.s32 $0x124800, s2  }
0x1f: {  	s25 =	simm.s32 $0x0;
	[dreg:$0xf] =	wrdreg s7;
	s0 =	sshrl.u32 @p0 s0, $0x3  }
0x20: {  	s7 =	simm.s32 $0xC;
	[dreg:$0x13] =	wrdreg s0;
	s0 =	sshrl.u32 @!p0 s9, $0x3  }
0x21: {  	v0 =	vimm.f32 $0.0e+00;
	s9 =	simm.s32 $0x9;
	[dreg:$0x14] =	wrdreg s0;
	s0 =	simm.s32 $0x100  }
.LBB2_6:
0x22: {  	_ =	swait.ge [sflag:s7], $0x4000  }
0x23: {  	[sflag:s7] =	ssyncset.done $0x0  }
0x24: {  	[sflag:s7] =	ssyncadd.s32 $0xFFFFC000  }
0x25: {  	[bflag:$0x0] =	sbarrier.arrive $0xFFFF  }
0x26: {  	s6 =	rddreg [dreg:$0x10]  }
0x27: {  	s1 =	simm.s32 @p0 $0x1FCD;
	s25 =	rddreg [dreg:$0x13]  }
0x28: {  	[hbm:s6], [sflag:s1] =	dma.local @p0 [spmem:s25], $0x2800  }
0x29: {  	s1 =	simm.s32 @p0 $0xD  }
0x2a: {  	s6 =	stileid.u32;
	_ =	swait.ge @p0 [sflag:s1], $0x2800  }
0x2b: {  	s6 =	sshll.u32 @!p0 s6, $0x6;
	[sflag:s1] =	ssyncset.done @p0 $0x0;
	s25 =	rddreg [dreg:$0x14]  }
0x2c: {  	[sflag:s1] =	ssyncadd.s32 @p0 $0xFFFFD800;
	s1 =	sor.u32 @!p0 $0x1C0D, s6;
	s6 =	rddreg [dreg:$0xf]  }
0x2d: {  	[hbm:s6], [sflag:s1] =	dma.local @!p0 [spmem:s25], $0x2700  }
0x2e: {  	s1 =	simm.s32 @!p0 $0xD  }
0x2f: {  	_ =	swait.ge @!p0 [sflag:s1], $0x2700  }
0x30: {  	s29 =	rddreg [dreg:$0x15]  }
0x31: {  	s31 =	rddreg [dreg:$0x11];
	s25 =	sadd.s32 $0x1, s29  }
0x32: {  	p1 =	sne.s32 s25, s31  }
.Ltmp1:
0x33: {  	_ = 	snop;
	(pc) =	sbr.rel @!p1 .LBB2_7-.Ltmp1, $3  }
0x34: {  	_ =	sdelay $0x1  }
0x35: {  	[sflag:s1] =	ssyncset.done @!p0 $0x0  }
0x36: {  	[sflag:s1] =	ssyncadd.s32 @!p0 $0xFFFFD900  }
.LBB2_1:
0x37: {  	[dreg:$0x15] =	wrdreg s25;
	s28 =	simm.s32 $0x0;
	s25 =	simm.s32 $0x200  }
.LBB2_2:
0x38: {  	p1 =	sne.s32 s25, $0xFE00;
	[tilespmem:s28+$0x470] =	vst v0  }
0x39: {  	[tilespmem:s28+$0x400] =	vst v0  }
0x3a: {  	[tilespmem:s28+$0x410] =	vst v0  }
.Ltmp2:
0x3b: {  	[tilespmem:s28+$0x420] =	vst v0;
	(pc) =	sbr.rel @p1 .LBB2_2-.Ltmp2, $4  }
0x3c: {  	[tilespmem:s28+$0x430] =	vst v0  }
0x3d: {  	[tilespmem:s28+$0x440] =	vst v0  }
0x3e: {  	[tilespmem:s28+$0x450] =	vst v0  }
0x3f: {  	[tilespmem:s28+$0x460] =	vst v0;
	s28 =	sshra.s32 s25, $0x2;
	s25 =	sadd.s32 $0x200, s25  }
0x40: {  	[tilespmem:s28+$0x470] =	vst v0  }
0x41: {  	[tilespmem:s28+$0x400] =	vst v0  }
0x42: {  	[tilespmem:s28+$0x410] =	vst v0  }
0x43: {  	[tilespmem:s28+$0x420] =	vst v0  }
0x44: {  	[tilespmem:s28+$0x430] =	vst v0  }
0x45: {  	[tilespmem:s28+$0x440] =	vst v0  }
0x46: {  	[tilespmem:s28+$0x450] =	vst v0  }
0x47: {  	[tilespmem:s28+$0x460] =	vst v0;
	s1 =	rddreg [dreg:$0x4];
	s6 =	simm.s32 $0xD  }
0x48: {  	[spmem:s1] =	stream.linear.scatter [tilespmem:s26], [sflag:$0xD], $0x4000, $0x38;
	[tilespmem:$0x1C000] =	vst v63  }
0x49: {  	_ =	swait.ge [sflag:s6], $0x4000  }
0x4a: {  	[sflag:s6] =	ssyncset.done $0x0  }
0x4b: {  	s31 =	rddreg [dreg:$0x5];
	[sflag:s6] =	ssyncadd.s32 $0xFFFFC000  }
0x4c: {  	[spmem:s31] =	stream.linear.scatter [tilespmem:s26], [sflag:$0xD], $0x4000, $0x38;
	[tilespmem:$0x1C000] =	vst v63  }
0x4d: {  	_ =	swait.ge [sflag:s6], $0x4000  }
0x4e: {  	[sflag:s6] =	ssyncset.done $0x0  }
0x4f: {  	s25 =	rddreg [dreg:$0x6];
	[sflag:s6] =	ssyncadd.s32 $0xFFFFC000  }
0x50: {  	[spmem:s25] =	stream.linear.scatter [tilespmem:s26], [sflag:$0xD], $0x4000, $0x38;
	[tilespmem:$0x1C000] =	vst v63  }
0x51: {  	_ =	swait.ge [sflag:s6], $0x4000  }
0x52: {  	[sflag:s6] =	ssyncset.done $0x0  }
0x53: {  	s29 =	rddreg [dreg:$0x7];
	[sflag:s6] =	ssyncadd.s32 $0xFFFFC000  }
0x54: {  	[spmem:s29] =	stream.linear.scatter [tilespmem:s26], [sflag:$0xD], $0x4000, $0x38;
	[tilespmem:$0x1C000] =	vst v63  }
0x55: {  	_ =	swait.ge [sflag:s6], $0x4000  }
0x56: {  	[sflag:s6] =	ssyncset.done $0x0  }
0x57: {  	s31 =	rddreg [dreg:$0x8];
	[sflag:s6] =	ssyncadd.s32 $0xFFFFC000  }
0x58: {  	[spmem:s31] =	stream.linear.scatter [tilespmem:s26], [sflag:$0xD], $0x3C00, $0x38;
	[tilespmem:$0x1C000] =	vst v63  }
0x59: {  	_ =	swait.ge [sflag:s6], $0x3C00  }
0x5a: {  	[sflag:s6] =	ssyncset.done $0x0  }
0x5b: {  	[sflag:s6] =	ssyncadd.s32 $0xFFFFC400  }
0x5c: {  	[bflag:$0x0] =	sbarrier.arrive $0xFFFF  }
0x5d: {  	s28 =	simm.s32 $0x0;
	s6 =	rddreg [dreg:$0x9]  }
0x5e: {  	[tilespmem:s28], [sflag:$0x1] =	stream.linear.gather [hbm4b:s6+s28], $0x80, $0x38;
	[tilespmem:$0x1C000] =	vst v63  }
0x5f: {  	s29 =	simm.s32 $0x200;
	s25 =	rddreg [dreg:$0xa]  }
0x60: {  	[tilespmem:s29], [sflag:$0x5] =	stream.linear.gather [hbm4b:s25+s28], $0x80, $0x38;
	[tilespmem:$0x1C000] =	vst v63  }
0x61: {  	s31 =	rddreg [dreg:$0xb]  }
0x62: {  	[tilespmem:s30], [sflag:$0x2] =	stream.linear.gather [hbm4b:s31+s28], $0x80, $0x38;
	[tilespmem:$0x1C000] =	vst v63  }
0x63: {  	s6 =	rddreg [dreg:$0xc];
	s25 =	simm.s32 $0x280  }
0x64: {  	[tilespmem:s25], [sflag:$0x6] =	stream.linear.gather [hbm4b:s6+s28], $0x80, $0x38;
	[tilespmem:$0x1C000] =	vst v63  }
0x65: {  	s29 =	rddreg [dreg:$0xd]  }
0x66: {  	[tilespmem:s0], [sflag:$0x3] =	stream.linear.gather [hbm4b:s29+s28], $0x80, $0x38;
	[tilespmem:$0x1C000] =	vst v63  }
0x67: {  	s31 =	rddreg [dreg:$0xe]  }
0x68: {  	[tilespmem:s3], [sflag:$0x7] =	stream.linear.gather [hbm4b:s31+s28], $0x80, $0x38;
	[tilespmem:$0x1C000] =	vst v63  }
0x69: {  	_ =	swait.ge [sflag:s8], $0x80  }
0x6a: {  	[sflag:s8] =	ssyncset.done $0x0  }
0x6b: {  	[sflag:s8] =	ssyncadd.s32 $0xFFFFFF80  }
0x6c: {  	[tilespmem:s26], [sflag:$0x9] =	stream.indirect.gather [hbm4b:s5+s30], $0x80, s28, s30, $0xb8;
	[tilespmem:$0x1C000] =	vst v63  }
.LBB2_4:
0x6d: {  	_ =	swait.ge [sflag:s9], $0x4000  }
0x6e: {  	[sflag:s9] =	ssyncset.done $0x0  }
0x6f: {  	[sflag:s9] =	ssyncadd.s32 $0xFFFFC000  }
0x70: {  	_ =	swait.ge [sflag:s10], $0x80  }
0x71: {  	s1 =	simm.s32 $0x200;
	[sflag:s10] =	ssyncset.done $0x0  }
0x72: {  	p1 =	seq.s32 s28, $0x0;
	s25 =	sadd.s32 s28, s21;
	[sflag:s10] =	ssyncadd.s32 $0xFFFFFF80  }
0x73: {  	[spmem:s2] =	stream.indirect.scatter.add.f32 [tilespmem:s26], [sflag:$0xB], $0x80, s1, s30, $0xb8;
	[tilespmem:$0x1C000] =	vst v63  }
0x74: {  	s29 =	sand.u32 $0x40, s28;
	s25 =	sand.u32 $0xFFFFF80, s25;
	s1 =	simm.s32 @!p1 $0xC  }
0x75: {  	s25 =	sor.u32 s25, s29;
	_ =	swait.ge @!p1 [sflag:s1], $0x4000  }
0x76: {  	s25 =	sor.u32 $0x30, s25;
	[sflag:s1] =	ssyncset.done @!p1 $0x0;
	s6 =	rddreg [dreg:$0x12]  }
0x77: {  	[sflag:s1] =	ssyncadd.s32 @!p1 $0xFFFFC000;
	s1 =	sadd.s32 s6, s25  }
0x78: {  	[tilespmem:s11], [sflag:$0x4] =	stream.linear.gather [hbm4b:s1+s4], $0x80, $0x38;
	[tilespmem:$0x1C000] =	vst v63  }
0x79: {  	s29 =	rddreg [dreg:$0x1]  }
0x7a: {  	s1 =	sadd.s32 s29, s25  }
0x7b: {  	[tilespmem:s12], [sflag:$0x8] =	stream.linear.gather [hbm4b:s1+s4], $0x80, $0x38;
	[tilespmem:$0x1C000] =	vst v63  }
0x7c: {  	_ =	swait.ge [sflag:s13], $0x80  }
0x7d: {  	[sflag:s13] =	ssyncset.done $0x0  }
0x7e: {  	[sflag:s13] =	ssyncadd.s32 $0xFFFFFF80  }
0x7f: {  	[tilespmem:s14], [sflag:$0xA] =	stream.indirect.gather [hbm4b:s5+s30], $0x80, s30, s30, $0xb8;
	[tilespmem:$0x1C000] =	vst v63  }
0x80: {  	_ =	swait.ge [sflag:s15], $0x4000  }
0x81: {  	[sflag:s15] =	ssyncset.done $0x0  }
0x82: {  	[sflag:s15] =	ssyncadd.s32 $0xFFFFC000  }
0x83: {  	_ =	swait.ge [sflag:s16], $0x80  }
0x84: {  	[sflag:s16] =	ssyncset.done $0x0  }
0x85: {  	s31 =	simm.s32 $0x280;
	[sflag:s16] =	ssyncadd.s32 $0xFFFFFF80  }
0x86: {  	[spmem:s2] =	stream.indirect.scatter.add.f32 [tilespmem:s14], [sflag:$0xC], $0x80, s31, s30, $0xb8;
	[tilespmem:$0x1C000] =	vst v63  }
0x87: {  	p1 =	seq.s32 s28, $0x240;
	_ =	swait.ge [sflag:s17], $0x4000  }
0x88: {  	s1 =	sadd.s32 @!p1 s28, s22;
	[sflag:s17] =	ssyncset.done $0x0  }
0x89: {  	s29 =	simm.s32 @!p1 $0x0;
	s25 =	sadd.s32 @!p1 $0x40, s1;
	[sflag:s17] =	ssyncadd.s32 $0xFFFFC000  }
0x8a: {  	[tilespmem:s29], [sflag:$0x1] =	stream.linear.gather @!p1 [hbm4b:s25+s29], $0x80, $0x38;
	[tilespmem:$0x1C000] =	vst v63  }
0x8b: {  	s25 =	sadd.s32 @!p1 s28, s23  }
0x8c: {  	s6 =	simm.s32 @!p1 $0x200;
	s31 =	sadd.s32 @!p1 $0x40, s25  }
0x8d: {  	[tilespmem:s6], [sflag:$0x5] =	stream.linear.gather @!p1 [hbm4b:s31+s29], $0x80, $0x38;
	[tilespmem:$0x1C000] =	vst v63  }
0x8e: {  	_ =	swait.ge [sflag:s18], $0x80  }
0x8f: {  	[sflag:s18] =	ssyncset.done $0x0  }
0x90: {  	[sflag:s18] =	ssyncadd.s32 $0xFFFFFF80  }
0x91: {  	[tilespmem:s26], [sflag:$0x9] =	stream.indirect.gather [hbm4b:s5+s30], $0x80, s0, s30, $0xb8;
	[tilespmem:$0x1C000] =	vst v63  }
0x92: {  	_ =	swait.ge [sflag:s9], $0x4000  }
0x93: {  	[sflag:s9] =	ssyncset.done $0x0  }
0x94: {  	[sflag:s9] =	ssyncadd.s32 $0xFFFFC000  }
0x95: {  	_ =	swait.ge [sflag:s19], $0x80  }
0x96: {  	[sflag:s19] =	ssyncset.done $0x0  }
0x97: {  	[sflag:s19] =	ssyncadd.s32 $0xFFFFFF80  }
0x98: {  	[spmem:s2] =	stream.indirect.scatter.add.f32 [tilespmem:s26], [sflag:$0xB], $0x80, s3, s30, $0xb8;
	[tilespmem:$0x1C000] =	vst v63  }
0x99: {  	_ =	swait.ge [sflag:s7], $0x4000  }
0x9a: {  	[sflag:s7] =	ssyncset.done $0x0  }
0x9b: {  	s1 =	sadd.s32 @!p1 $0x50, s1;
	s6 =	simm.s32 @!p1 $0x80;
	[sflag:s7] =	ssyncadd.s32 $0xFFFFC000  }
0x9c: {  	[tilespmem:s6], [sflag:$0x2] =	stream.linear.gather @!p1 [hbm4b:s1+s29], $0x80, $0x38;
	[tilespmem:$0x1C000] =	vst v63  }
0x9d: {  	s1 =	sadd.s32 @!p1 $0x50, s25;
	s6 =	simm.s32 @!p1 $0x280  }
0x9e: {  	[tilespmem:s6], [sflag:$0x6] =	stream.linear.gather @!p1 [hbm4b:s1+s29], $0x80, $0x38;
	[tilespmem:$0x1C000] =	vst v63  }
0x9f: {  	_ =	swait.ge [sflag:s20], $0x80  }
0xa0: {  	[sflag:s20] =	ssyncset.done $0x0  }
0xa1: {  	[sflag:s20] =	ssyncadd.s32 $0xFFFFFF80  }
0xa2: {  	[tilespmem:s14], [sflag:$0xA] =	stream.indirect.gather [hbm4b:s5+s30], $0x80, s11, s30, $0xb8;
	[tilespmem:$0x1C000] =	vst v63  }
0xa3: {  	_ =	swait.ge [sflag:s15], $0x4000  }
0xa4: {  	[sflag:s15] =	ssyncset.done $0x0  }
0xa5: {  	[sflag:s15] =	ssyncadd.s32 $0xFFFFC000  }
0xa6: {  	_ =	swait.ge [sflag:s24], $0x80  }
0xa7: {  	[sflag:s24] =	ssyncset.done $0x0  }
.Ltmp3:
0xa8: {  	[sflag:s24] =	ssyncadd.s32 $0xFFFFFF80;
	(pc) =	sbr.rel @p1 .LBB2_6-.Ltmp3, $4  }
0xa9: {  	[spmem:s2] =	stream.indirect.scatter.add.f32 [tilespmem:s14], [sflag:$0xC], $0x80, s12, s30, $0xb8;
	[tilespmem:$0x1C000] =	vst v63  }
0xaa: {  	_ =	swait.ge [sflag:s17], $0x4000  }
0xab: {  	[sflag:s17] =	ssyncset.done $0x0  }
0xac: {  	[sflag:s17] =	ssyncadd.s32 $0xFFFFC000  }
0xad: {  	s1 =	sadd.s32 s28, s22  }
0xae: {  	s31 =	sadd.s32 s28, s23;
	s1 =	sadd.s32 $0x60, s1  }
0xaf: {  	[tilespmem:s0], [sflag:$0x3] =	stream.linear.gather [hbm4b:s1+s4], $0x80, $0x38;
	[tilespmem:$0x1C000] =	vst v63  }
0xb0: {  	s1 =	sadd.s32 $0x60, s31  }
0xb1: {  	[tilespmem:s3], [sflag:$0x7] =	stream.linear.gather [hbm4b:s1+s4], $0x80, $0x38;
	[tilespmem:$0x1C000] =	vst v63  }
.Ltmp4:
0xb2: {  	_ = 	snop;
	(pc) =	sbr.rel .LBB2_4-.Ltmp4, $4  }
0xb3: {  	_ =	swait.ge [sflag:s8], $0x80  }
0xb4: {  	[sflag:s8] =	ssyncset.done $0x0  }
0xb5: {  	s28 =	sadd.s32 $0x40, s28;
	[sflag:s8] =	ssyncadd.s32 $0xFFFFFF80  }
0xb6: {  	[tilespmem:s26], [sflag:$0x9] =	stream.indirect.gather [hbm4b:s5+s30], $0x80, s4, s30, $0xb8;
	[tilespmem:$0x1C000] =	vst v63  }
.LBB2_7:
0xb7: {  	_ =	sfence.sel $0x180000  }
0xb8: {  	[bflag:$0x0] =	sbarrier.arrive $0xFFFF  }
0xb9: {  	_ =	strace $0x90000047  }
0xba: {  	s0 =	stileid.u32;
	[bflag:$0x2] =	sbarrier.arrive $0xFFFF  }
0xbb: {  	p0 =	sne.s32 s0, $0x0;
	s0 =	rddreg [dreg:$0x3]  }
0xbc: {  	s0 =	sadd.s32 @!p0 $0x100000, s0  }
0xbd: {  	[sflag:s0] =	ssyncadd.tile.s32 @!p0 $0x1;
	_ =	shalt  }
.Lfunc_end2:
_tile_overlayer_lowered:
.L_overlay_start_2:
0xbe: {  	(tag) =	ssettag $0x2  }
0xbf: {  	s0 =	rddreg [dreg:$0x0];
	s2 =	stileid.u32  }
0xc0: {  	s1 =	rddreg [dreg:$0x1];
	p0 =	sne.s32 s2, $0x0  }
0xc1: {  	s3 =	rddreg [dreg:$0x2];
	[bflag:$0x3] =	sbarrier.arrive $0xFFFF;
	s2 =	simm.s32 @!p0 $0x1C0D  }
0xc2: {  	[timem:s3], [sflag:s2] =	dma.local @!p0 [hbm:s0], s1  }
0xc3: {  	s0 =	simm.s32 @!p0 $0xD  }
0xc4: {  	_ =	swait.ge @!p0 [sflag:s0], s1  }
0xc5: {  	s1 =	ssub.s32 @!p0 $0x0, s1;
	[sflag:s0] =	ssyncset.done @!p0 $0x0  }
0xc6: {  	[sflag:s0] =	ssyncadd.s32 @!p0 s1  }
0xc7: {  	[bflag:$0x3] =	sbarrier.arrive $0xFFFF  }
0xc8: {  	_ =	shalt  }

</sc_bundles>
